<compile_context>
chip_gen: v7x
topology: tpu7x:2x2x1
jax: 0.10.2.dev20260603
libtpu: 0.0.44.dev20260713+nightly
codegen_flags: <defaults>
</compile_context>

<pallas_src>
import functools

import jax
import jax.numpy as jnp
from jax import lax
from jax.experimental import pallas as pl
from jax.experimental.pallas import tpu as pltpu
from jax.experimental.pallas import tpu_sc as plsc

N = 384
E = 12288
D = 1280
M = 48

NUM_CORES = 2
NUM_SUBCORES = 16
LANES = 16

SLICES = NUM_SUBCORES
SLICE_W = D // SLICES
VECS = SLICE_W // LANES
HALVES = NUM_CORES
HE = E // HALVES

_NEG_INF = float("-inf")


CHUNKS = HE // LANES


def _sc_body(x_hbm, src_hbm, dst_hbm, w_hbm, out_hbm,
             x_v, agg_v, src_v, dst_v, w_v, psrc_v, pdst_v, pw_v,
             cnt_v, ofs_v):
    c = lax.axis_index("c")
    s = lax.axis_index("s")
    col0 = s * SLICE_W

    pltpu.sync_copy(x_hbm.at[:, pl.ds(col0, SLICE_W)], x_v)
    pltpu.sync_copy(src_hbm.at[pl.ds(c * HE, HE)], src_v)
    pltpu.sync_copy(dst_hbm.at[pl.ds(c * HE, HE)], dst_v)
    pltpu.sync_copy(w_hbm.at[pl.ds(c * HE, HE)], w_v)

    neg = jnp.full((LANES,), _NEG_INF, dtype=jnp.float32)
    ones = jnp.ones((LANES,), jnp.int32)

    def init_body(n, _):
        for j in range(VECS):
            agg_v[n, pl.ds(j * LANES, LANES)] = neg
        return 0

    lax.fori_loop(0, N, init_body, 0)

    def zero_body(i, _):
        cnt_v[pl.ds(i * LANES, LANES)] = jnp.zeros((LANES,), jnp.int32)
        return 0

    lax.fori_loop(0, N // LANES, zero_body, 0)

    def hist_body(eb, _):
        d16 = dst_v[pl.ds(eb * LANES, LANES)]
        plsc.addupdate_scatter(cnt_v, [d16], ones)
        return 0

    lax.fori_loop(0, CHUNKS, hist_body, 0)

    def scan_body(i, carry):
        c16 = cnt_v[pl.ds(i * LANES, LANES)]
        incl = plsc.cumsum(c16)
        ofs_v[pl.ds(i * LANES, LANES)] = incl - c16 + carry
        return carry + incl[LANES - 1]

    lax.fori_loop(0, N // LANES, scan_body, jnp.int32(0))

    def place_body(eb, _):
        e0 = eb * LANES
        d16 = dst_v[pl.ds(e0, LANES)]
        s16 = src_v[pl.ds(e0, LANES)]
        w16 = w_v[pl.ds(e0, LANES)]
        base = plsc.load_gather(ofs_v, [d16])
        cnt16, last16 = plsc.scan_count(d16)
        slot = base + cnt16 - 1
        plsc.store_scatter(psrc_v, [slot], s16)
        plsc.store_scatter(pdst_v, [slot], d16)
        plsc.store_scatter(pw_v, [slot], w16)
        plsc.store_scatter(ofs_v, [d16], base + cnt16, mask=last16)
        return 0

    lax.fori_loop(0, CHUNKS, place_body, 0)

    def edge_body(eb, carry):
        prev, acc = carry
        e0 = eb * LANES
        pd16 = pdst_v[pl.ds(e0, LANES)]
        ps16 = psrc_v[pl.ds(e0, LANES)]
        pw16 = pw_v[pl.ds(e0, LANES)]
        for k in range(LANES):
            di = pd16[k]
            si = ps16[k]
            wi = pw16[k]
            same = di == prev
            acc = [jnp.maximum(x_v[si, pl.ds(j * LANES, LANES)] * wi,
                               jnp.where(same, acc[j], neg))
                   for j in range(VECS)]
            for j in range(VECS):
                agg_v[di, pl.ds(j * LANES, LANES)] = acc[j]
            prev = di
        return prev, acc

    lax.fori_loop(0, CHUNKS, edge_body,
                  (jnp.int32(-1), [neg] * VECS))

    pltpu.sync_copy(agg_v, out_hbm.at[c, :, pl.ds(col0, SLICE_W)])


@jax.jit
def _sc_seg_max(x, src, dst, w):
    mesh = plsc.VectorSubcoreMesh(
        core_axis_name="c", subcore_axis_name="s",
        num_cores=NUM_CORES, num_subcores=NUM_SUBCORES)
    return pl.kernel(
        _sc_body,
        out_type=jax.ShapeDtypeStruct((HALVES, N, D), jnp.float32),
        mesh=mesh,
        compiler_params=pltpu.CompilerParams(use_tc_tiling_on_sc=False,
                                             needs_layout_passes=False),
        scratch_types=[
            pltpu.VMEM((N, SLICE_W), jnp.float32),
            pltpu.VMEM((N, SLICE_W), jnp.float32),
            pltpu.VMEM((HE,), jnp.int32),
            pltpu.VMEM((HE,), jnp.int32),
            pltpu.VMEM((HE,), jnp.float32),
            pltpu.VMEM((HE,), jnp.int32),
            pltpu.VMEM((HE,), jnp.int32),
            pltpu.VMEM((HE,), jnp.float32),
            pltpu.VMEM((N,), jnp.int32),
            pltpu.VMEM((N,), jnp.int32),
        ],
    )(x, src, dst, w)


def _tc_body(x_ref, p_ref, wg_ref, bg_ref, wd_ref, bd_ref, wm_ref, bm_ref,
             mi_ref, dis_ref, mask_ref):
    x = x_ref[...]
    agg = jnp.maximum(p_ref[0], p_ref[1])
    agg = jnp.where(agg == _NEG_INF, 0.0, agg)
    xa = x + agg
    h = lax.dot_general(xa, wg_ref[...], (((1,), (1,)), ((), ())),
                        preferred_element_type=jnp.float32)
    no = h + bg_ref[...] + x

    s_col = lax.dot_general(no, wd_ref[...], (((1,), (1,)), ((), ())),
                            preferred_element_type=jnp.float32)
    s_row = lax.dot_general(wd_ref[...], no, (((1,), (1,)), ((), ())),
                            preferred_element_type=jnp.float32)
    dis_ref[...] = jax.nn.sigmoid(s_row - s_col + bd_ref[0, 0])

    t = lax.dot_general(no, wm_ref[...], (((1,), (1,)), ((), ())),
                        preferred_element_type=jnp.float32)
    iota = lax.broadcasted_iota(jnp.int32, (M, N), 1)
    onehot = (iota == mi_ref[...]).astype(jnp.float32)
    tm = lax.dot_general(onehot, t, (((1,), (0,)), ((), ())),
                         preferred_element_type=jnp.float32)
    mask_ref[...] = jnp.tanh(tm + bm_ref[...])


@jax.jit
def _tc_heads(x, partials, W_gin, b_gin, W_dis, b_dis, W_mask, b_mask, mi):
    return pl.pallas_call(
        _tc_body,
        out_shape=[
            jax.ShapeDtypeStruct((N, N), jnp.float32),
            jax.ShapeDtypeStruct((M, 2), jnp.float32),
        ],
    )(x, partials, W_gin, b_gin.reshape(1, D), W_dis, b_dis.reshape(1, 1),
      W_mask, b_mask.reshape(1, 2), mi.reshape(M, 1))


def kernel(lm_embedding, node_feat, edge_feat, edge_index, mask_index,
           W_gin, b_gin, W_dis, b_dis, W_mask, b_mask):
    x = jnp.concatenate([lm_embedding[0, 1:-1, :], node_feat], axis=1)
    partials = _sc_seg_max(x, edge_index[0], edge_index[1], edge_feat)
    dis2d, mask_pred = _tc_heads(x, partials, W_gin, b_gin, W_dis, b_dis,
                                 W_mask, b_mask, mask_index)
    dis2d, mask_pred = lax.optimization_barrier((dis2d, mask_pred))
    return dis2d.reshape(N, N, 1), mask_pred

# --- scband reference (transcript-rebuilt; emitter-appended) ---
"""Pipeline reference for scband-mgin-53558242181729 (READ-ONLY COPY).

The authoritative reference and input builder live on the scoring server;
editing this copy changes nothing except your own understanding.
"""

import jax, jax.numpy as jnp
import numpy as np

N = 384
E = 12288
D = 1280
D_LM = 1024
D_NF = 256
M = 48


def setup_inputs(seed: int = 0) -> dict:
    key = jax.random.key(seed)
    ks = jax.random.split(key, 10)
    lm_embedding = jax.random.normal(ks[0], (1, N + 2, D_LM), dtype=jnp.float32)
    node_feat = jax.random.normal(ks[1], (N, D_NF), dtype=jnp.float32)
    edge_feat = jax.random.uniform(ks[2], (E,), dtype=jnp.float32)
    edge_index = jax.random.randint(ks[3], (2, E), 0, N, dtype=jnp.int32)
    mask_index = jax.random.randint(ks[4], (M,), 0, N, dtype=jnp.int32)
    W_gin = jax.random.normal(ks[5], (D, D), dtype=jnp.float32) * (1.0 / np.sqrt(D))
    b_gin = jnp.zeros((D,), dtype=jnp.float32)
    W_dis = jax.random.normal(ks[6], (1, D), dtype=jnp.float32) * (1.0 / np.sqrt(D))
    b_dis = jnp.zeros((1,), dtype=jnp.float32)
    W_mask = jax.random.normal(ks[7], (2, D), dtype=jnp.float32) * (1.0 / np.sqrt(D))
    b_mask = jnp.zeros((2,), dtype=jnp.float32)
    return {
        "lm_embedding": lm_embedding,
        "node_feat": node_feat,
        "edge_feat": edge_feat,
        "edge_index": edge_index,
        "mask_index": mask_index,
        "W_gin": W_gin,
        "b_gin": b_gin,
        "W_dis": W_dis,
        "b_dis": b_dis,
        "W_mask": W_mask,
        "b_mask": b_mask,
    }


def reference(lm_embedding, node_feat, edge_feat, edge_index, mask_index,
              W_gin, b_gin, W_dis, b_dis, W_mask, b_mask):
    n = node_feat.shape[0]
    # node_feat = cat([lm_embedding.squeeze(0)[1:-1, :], node_feat], dim=1)
    x = jnp.concatenate([lm_embedding[0, 1:-1, :], node_feat], axis=1)  # [N, 1280]
    src = edge_index[0]
    dst = edge_index[1]
    # DGL GINConv with aggregator 'max' and edge weights: m_e = x[src] * w_e
    m = x[src] * edge_feat[:, None]  # [E, D]
    agg = jax.ops.segment_max(m, dst, num_segments=n)
    # zero-degree destination nodes get 0 (DGL semantics) instead of -inf
    agg = jnp.where(jnp.isneginf(agg), 0.0, agg)
    h = x + agg  # (1 + eps) * x + max-agg, eps = 0
    h = h @ W_gin.T + b_gin  # apply_func Linear
    node_output = h + x  # residual in MGIN.forward
    # dis_hid[i, j] = node_output[j] - node_output[i]
    dis_hid = node_output[None, :, :] - node_output[:, None, :]  # [N, N, D]
    dis_pred = jax.nn.sigmoid(dis_hid @ W_dis.T + b_dis)  # [N, N, 1]
    mask_pred = jnp.tanh(node_output[mask_index] @ W_mask.T + b_mask)  # [M, 2]
    return (dis_pred, mask_pred)

if __name__ == "__main__":
    import jax
    _d = setup_inputs()
    print(jax.jit(kernel)(*tuple(_d.values())))

</pallas_src>

<mosaic_0001>
#map = affine_map<(d0, d1) -> (0, 0)>
#map1 = affine_map<(d0, d1) -> (0)>
#map2 = affine_map<(d0, d1) -> (0, 0, 0)>
module attributes {stable_mosaic.version = 14 : i64} {
  func.func @_sc_body(%arg0: i32, %arg1: i32, %arg2: memref<384x1280xf32, #tpu.memory_space<hbm>>, %arg3: memref<12288xi32, #tpu.memory_space<hbm>>, %arg4: memref<12288xi32, #tpu.memory_space<hbm>>, %arg5: memref<12288xf32, #tpu.memory_space<hbm>>, %arg6: memref<2x384x1280xf32, #tpu.memory_space<hbm>>, %arg7: memref<384x80xf32, #tpu.memory_space<vmem>>, %arg8: memref<384x80xf32, #tpu.memory_space<vmem>>, %arg9: memref<6144xi32, #tpu.memory_space<vmem>>, %arg10: memref<6144xi32, #tpu.memory_space<vmem>>, %arg11: memref<6144xf32, #tpu.memory_space<vmem>>, %arg12: memref<6144xi32, #tpu.memory_space<vmem>>, %arg13: memref<6144xi32, #tpu.memory_space<vmem>>, %arg14: memref<6144xf32, #tpu.memory_space<vmem>>, %arg15: memref<384xi32, #tpu.memory_space<vmem>>, %arg16: memref<384xi32, #tpu.memory_space<vmem>>) attributes {dimension_semantics = [#tpu.dimension_semantics<core_parallel>, #tpu.dimension_semantics<subcore_parallel>], iteration_bounds = array<i64: 2, 16>, scalar_prefetch = 0 : i64, scratch_operands = 10 : i64, tpu.core_type = #tpu.core_type<sc_vector_subcore>, window_params = [{transform_indices = #map}, {transform_indices = #map1}, {transform_indices = #map1}, {transform_indices = #map1}, {transform_indices = #map2}]} {
    %mul3A = arith.constant 80 : i32
    %mul3A_0 = arith.muli %arg1, %mul3A : i32
    "tpu.region"() ({
      %run_scoped3A = tpu.sem_alloc : memref<!tpu.dma_semaphore, #tpu.memory_space<semaphore_mem>>
      %dma_start3A = arith.constant 0 : i32
      %dma_start3A_51 = tpu.memref_slice %arg2[%dma_start3A, %mul3A_0] : memref<384x1280xf32, #tpu.memory_space<hbm>> -> memref<384x80xf32, #tpu.memory_space<hbm>>
      %dma_start3A_52 = arith.constant 0 : i32
      %dma_start3A_53 = tpu.memref_slice %arg2[%dma_start3A_52, %mul3A_0] : memref<384x1280xf32, #tpu.memory_space<hbm>> -> memref<384x80xf32, #tpu.memory_space<hbm>>
      tpu.enqueue_dma source(%dma_start3A_53 : memref<384x80xf32, #tpu.memory_space<hbm>>) target(%arg7 : memref<384x80xf32, #tpu.memory_space<vmem>>) target_semaphore(%run_scoped3A : memref<!tpu.dma_semaphore, #tpu.memory_space<semaphore_mem>>)
      %dma_wait3A = arith.constant 0 : i32
      %dma_wait3A_54 = tpu.memref_slice %arg2[%dma_wait3A, %mul3A_0] : memref<384x1280xf32, #tpu.memory_space<hbm>> -> memref<384x80xf32, #tpu.memory_space<hbm>>
      %dma_wait3A_55 = arith.constant 0 : i32
      %dma_wait3A_56 = tpu.memref_slice %arg2[%dma_wait3A_55, %mul3A_0] : memref<384x1280xf32, #tpu.memory_space<hbm>> -> memref<384x80xf32, #tpu.memory_space<hbm>>
      tpu.wait_dma2 semaphore(%run_scoped3A : memref<!tpu.dma_semaphore, #tpu.memory_space<semaphore_mem>>) src(%dma_wait3A_56 : memref<384x80xf32, #tpu.memory_space<hbm>>) dst(%arg7 : memref<384x80xf32, #tpu.memory_space<vmem>>)
      tpu.yield
    }) : () -> ()
    %mul3A_1 = arith.constant 6144 : i32
    %mul3A_2 = arith.muli %arg0, %mul3A_1 : i32
    "tpu.region"() ({
      %run_scoped3A = tpu.sem_alloc : memref<!tpu.dma_semaphore, #tpu.memory_space<semaphore_mem>>
      %dma_start3A = tpu.memref_slice %arg3[%mul3A_2] : memref<12288xi32, #tpu.memory_space<hbm>> -> memref<6144xi32, #tpu.memory_space<hbm>>
      %dma_start3A_51 = tpu.memref_slice %arg3[%mul3A_2] : memref<12288xi32, #tpu.memory_space<hbm>> -> memref<6144xi32, #tpu.memory_space<hbm>>
      tpu.enqueue_dma source(%dma_start3A_51 : memref<6144xi32, #tpu.memory_space<hbm>>) target(%arg9 : memref<6144xi32, #tpu.memory_space<vmem>>) target_semaphore(%run_scoped3A : memref<!tpu.dma_semaphore, #tpu.memory_space<semaphore_mem>>)
      %dma_wait3A = tpu.memref_slice %arg3[%mul3A_2] : memref<12288xi32, #tpu.memory_space<hbm>> -> memref<6144xi32, #tpu.memory_space<hbm>>
      %dma_wait3A_52 = tpu.memref_slice %arg3[%mul3A_2] : memref<12288xi32, #tpu.memory_space<hbm>> -> memref<6144xi32, #tpu.memory_space<hbm>>
      tpu.wait_dma2 semaphore(%run_scoped3A : memref<!tpu.dma_semaphore, #tpu.memory_space<semaphore_mem>>) src(%dma_wait3A_52 : memref<6144xi32, #tpu.memory_space<hbm>>) dst(%arg9 : memref<6144xi32, #tpu.memory_space<vmem>>)
      tpu.yield
    }) : () -> ()
    %mul3A_3 = arith.constant 6144 : i32
    %mul3A_4 = arith.muli %arg0, %mul3A_3 : i32
    "tpu.region"() ({
      %run_scoped3A = tpu.sem_alloc : memref<!tpu.dma_semaphore, #tpu.memory_space<semaphore_mem>>
      %dma_start3A = tpu.memref_slice %arg4[%mul3A_4] : memref<12288xi32, #tpu.memory_space<hbm>> -> memref<6144xi32, #tpu.memory_space<hbm>>
      %dma_start3A_51 = tpu.memref_slice %arg4[%mul3A_4] : memref<12288xi32, #tpu.memory_space<hbm>> -> memref<6144xi32, #tpu.memory_space<hbm>>
      tpu.enqueue_dma source(%dma_start3A_51 : memref<6144xi32, #tpu.memory_space<hbm>>) target(%arg10 : memref<6144xi32, #tpu.memory_space<vmem>>) target_semaphore(%run_scoped3A : memref<!tpu.dma_semaphore, #tpu.memory_space<semaphore_mem>>)
      %dma_wait3A = tpu.memref_slice %arg4[%mul3A_4] : memref<12288xi32, #tpu.memory_space<hbm>> -> memref<6144xi32, #tpu.memory_space<hbm>>
      %dma_wait3A_52 = tpu.memref_slice %arg4[%mul3A_4] : memref<12288xi32, #tpu.memory_space<hbm>> -> memref<6144xi32, #tpu.memory_space<hbm>>
      tpu.wait_dma2 semaphore(%run_scoped3A : memref<!tpu.dma_semaphore, #tpu.memory_space<semaphore_mem>>) src(%dma_wait3A_52 : memref<6144xi32, #tpu.memory_space<hbm>>) dst(%arg10 : memref<6144xi32, #tpu.memory_space<vmem>>)
      tpu.yield
    }) : () -> ()
    %mul3A_5 = arith.constant 6144 : i32
    %mul3A_6 = arith.muli %arg0, %mul3A_5 : i32
    "tpu.region"() ({
      %run_scoped3A = tpu.sem_alloc : memref<!tpu.dma_semaphore, #tpu.memory_space<semaphore_mem>>
      %dma_start3A = tpu.memref_slice %arg5[%mul3A_6] : memref<12288xf32, #tpu.memory_space<hbm>> -> memref<6144xf32, #tpu.memory_space<hbm>>
      %dma_start3A_51 = tpu.memref_slice %arg5[%mul3A_6] : memref<12288xf32, #tpu.memory_space<hbm>> -> memref<6144xf32, #tpu.memory_space<hbm>>
      tpu.enqueue_dma source(%dma_start3A_51 : memref<6144xf32, #tpu.memory_space<hbm>>) target(%arg11 : memref<6144xf32, #tpu.memory_space<vmem>>) target_semaphore(%run_scoped3A : memref<!tpu.dma_semaphore, #tpu.memory_space<semaphore_mem>>)
      %dma_wait3A = tpu.memref_slice %arg5[%mul3A_6] : memref<12288xf32, #tpu.memory_space<hbm>> -> memref<6144xf32, #tpu.memory_space<hbm>>
      %dma_wait3A_52 = tpu.memref_slice %arg5[%mul3A_6] : memref<12288xf32, #tpu.memory_space<hbm>> -> memref<6144xf32, #tpu.memory_space<hbm>>
      tpu.wait_dma2 semaphore(%run_scoped3A : memref<!tpu.dma_semaphore, #tpu.memory_space<semaphore_mem>>) src(%dma_wait3A_52 : memref<6144xf32, #tpu.memory_space<hbm>>) dst(%arg11 : memref<6144xf32, #tpu.memory_space<vmem>>)
      tpu.yield
    }) : () -> ()
    %broadcast_in_dim3A = arith.constant 0xFF800000 : f32
    %broadcast_in_dim3A_7 = vector.broadcast %broadcast_in_dim3A : f32 to vector<16xf32>
    %broadcast_in_dim3A_8 = arith.constant 1 : i32
    %broadcast_in_dim3A_9 = vector.broadcast %broadcast_in_dim3A_8 : i32 to vector<16xi32>
    %scan3A = arith.constant 0 : i32
    %scan3A_10 = arith.constant 0 : i32
    %scan3A_11 = arith.constant 384 : i32
    %scan3A_12 = arith.addi %scan3A_10, %scan3A_11 : i32
    %scan3A_13 = arith.constant 1 : i32
    %scan3A_14 = scf.for %scan3A_51 = %scan3A_10 to %scan3A_12 step %scan3A_13 iter_args(%scan3A_52 = %scan3A) -> (i32)  : i32 {
      %swap3A = arith.index_cast %scan3A_51 : i32 to index
      %swap3A_53 = arith.constant 0 : index
      %swap3A_54 = tpu.vector_load %arg8[%swap3A, %swap3A_53] {strides = array<i32>} : memref<384x80xf32, #tpu.memory_space<vmem>>, vector<16xf32>,
      tpu.vector_store %arg8[%swap3A, %swap3A_53], %broadcast_in_dim3A_7 {strides = array<i32>} : memref<384x80xf32, #tpu.memory_space<vmem>>, vector<16xf32>,
      %swap3A_55 = arith.index_cast %scan3A_51 : i32 to index
      %swap3A_56 = arith.constant 16 : index
      %swap3A_57 = tpu.vector_load %arg8[%swap3A_55, %swap3A_56] {strides = array<i32>} : memref<384x80xf32, #tpu.memory_space<vmem>>, vector<16xf32>,
      tpu.vector_store %arg8[%swap3A_55, %swap3A_56], %broadcast_in_dim3A_7 {strides = array<i32>} : memref<384x80xf32, #tpu.memory_space<vmem>>, vector<16xf32>,
      %swap3A_58 = arith.index_cast %scan3A_51 : i32 to index
      %swap3A_59 = arith.constant 32 : index
      %swap3A_60 = tpu.vector_load %arg8[%swap3A_58, %swap3A_59] {strides = array<i32>} : memref<384x80xf32, #tpu.memory_space<vmem>>, vector<16xf32>,
      tpu.vector_store %arg8[%swap3A_58, %swap3A_59], %broadcast_in_dim3A_7 {strides = array<i32>} : memref<384x80xf32, #tpu.memory_space<vmem>>, vector<16xf32>,
      %swap3A_61 = arith.index_cast %scan3A_51 : i32 to index
      %swap3A_62 = arith.constant 48 : index
      %swap3A_63 = tpu.vector_load %arg8[%swap3A_61, %swap3A_62] {strides = array<i32>} : memref<384x80xf32, #tpu.memory_space<vmem>>, vector<16xf32>,
      tpu.vector_store %arg8[%swap3A_61, %swap3A_62], %broadcast_in_dim3A_7 {strides = array<i32>} : memref<384x80xf32, #tpu.memory_space<vmem>>, vector<16xf32>,
      %swap3A_64 = arith.index_cast %scan3A_51 : i32 to index
      %swap3A_65 = arith.constant 64 : index
      %swap3A_66 = tpu.vector_load %arg8[%swap3A_64, %swap3A_65] {strides = array<i32>} : memref<384x80xf32, #tpu.memory_space<vmem>>, vector<16xf32>,
      tpu.vector_store %arg8[%swap3A_64, %swap3A_65], %broadcast_in_dim3A_7 {strides = array<i32>} : memref<384x80xf32, #tpu.memory_space<vmem>>, vector<16xf32>,
      %scan3A_67 = arith.constant 0 : i32
      scf.yield %scan3A_67 : i32
    }
    %scan3A_15 = arith.constant 384 : i32
    %scan3A_16 = arith.constant 0 : i32
    %scan3A_17 = arith.constant 0 : i32
    %scan3A_18 = arith.constant 24 : i32
    %scan3A_19 = arith.addi %scan3A_17, %scan3A_18 : i32
    %scan3A_20 = arith.constant 1 : i32
    %scan3A_21 = scf.for %scan3A_51 = %scan3A_17 to %scan3A_19 step %scan3A_20 iter_args(%scan3A_52 = %scan3A_16) -> (i32)  : i32 {
      %broadcast_in_dim3A_53 = arith.constant 0 : i32
      %broadcast_in_dim3A_54 = vector.broadcast %broadcast_in_dim3A_53 : i32 to vector<16xi32>
      %mul3A_55 = arith.constant 16 : i32
      %mul3A_56 = arith.muli %scan3A_51, %mul3A_55 : i32
      %swap3A = arith.index_cast %mul3A_56 : i32 to index
      %swap3A_57 = tpu.vector_load %arg15[%swap3A] {strides = array<i32>} : memref<384xi32, #tpu.memory_space<vmem>>, vector<16xi32>,
      tpu.vector_store %arg15[%swap3A], %broadcast_in_dim3A_54 {strides = array<i32>} : memref<384xi32, #tpu.memory_space<vmem>>, vector<16xi32>,
      %scan3A_58 = arith.constant 0 : i32
      scf.yield %scan3A_58 : i32
    }
    %scan3A_22 = arith.constant 24 : i32
    %scan3A_23 = arith.constant 0 : i32
    %scan3A_24 = arith.constant 0 : i32
    %scan3A_25 = arith.constant 384 : i32
    %scan3A_26 = arith.addi %scan3A_24, %scan3A_25 : i32
    %scan3A_27 = arith.constant 1 : i32
    %scan3A_28 = scf.for %scan3A_51 = %scan3A_24 to %scan3A_26 step %scan3A_27 iter_args(%scan3A_52 = %scan3A_23) -> (i32)  : i32 {
      %mul3A_53 = arith.constant 16 : i32
      %mul3A_54 = arith.muli %scan3A_51, %mul3A_53 : i32
      %get3A = arith.index_cast %mul3A_54 : i32 to index
      %get3A_55 = tpu.vector_load %arg10[%get3A] {strides = array<i32>} : memref<6144xi32, #tpu.memory_space<vmem>>, vector<16xi32>,
      tpu.vector_store_idx %arg15[%get3A_55], %broadcast_in_dim3A_9 {add = true} : memref<384xi32, #tpu.memory_space<vmem>>[vector<16xi32>], vector<16xi32>,
      %scan3A_56 = arith.constant 0 : i32
      scf.yield %scan3A_56 : i32
    }
    %scan3A_29 = arith.constant 384 : i32
    %scan3A_30 = arith.constant 0 : i32
    %scan3A_31 = arith.constant 0 : i32
    %scan3A_32 = arith.constant 24 : i32
    %scan3A_33 = arith.addi %scan3A_31, %scan3A_32 : i32
    %scan3A_34 = arith.constant 1 : i32
    %scan3A_35 = scf.for %scan3A_51 = %scan3A_31 to %scan3A_33 step %scan3A_34 iter_args(%scan3A_52 = %scan3A_30) -> (i32)  : i32 {
      %mul3A_53 = arith.constant 16 : i32
      %mul3A_54 = arith.muli %scan3A_51, %mul3A_53 : i32
      %get3A = arith.index_cast %mul3A_54 : i32 to index
      %get3A_55 = tpu.vector_load %arg15[%get3A] {strides = array<i32>} : memref<384xi32, #tpu.memory_space<vmem>>, vector<16xi32>,
      %broadcast_in_dim3A_56 = arith.constant true
      %broadcast_in_dim3A_57 = vector.broadcast %broadcast_in_dim3A_56 : i1 to vector<16xi1>
      %masked_cumsum3A = tpu.scan <sum>, %get3A_55 masked %broadcast_in_dim3A_57 : vector<16xi32>, vector<16xi1> -> vector<16xi32>
      %sub3A = arith.subi %masked_cumsum3A, %get3A_55 : vector<16xi32>
      %add3A = vector.broadcast %scan3A_52 : i32 to vector<16xi32>
      %add3A_58 = arith.addi %sub3A, %add3A : vector<16xi32>
      %mul3A_59 = arith.constant 16 : i32
      %mul3A_60 = arith.muli %scan3A_51, %mul3A_59 : i32
      %swap3A = arith.index_cast %mul3A_60 : i32 to index
      %swap3A_61 = tpu.vector_load %arg16[%swap3A] {strides = array<i32>} : memref<384xi32, #tpu.memory_space<vmem>>, vector<16xi32>,
      tpu.vector_store %arg16[%swap3A], %add3A_58 {strides = array<i32>} : memref<384xi32, #tpu.memory_space<vmem>>, vector<16xi32>,
      %slice3A = vector.extract_strided_slice %masked_cumsum3A {offsets = [15], sizes = [1], strides = [1]} : vector<16xi32> to vector<1xi32>
      %squeeze3A = vector.extract %slice3A[0] : i32 from vector<1xi32>
      %add3A_62 = arith.addi %scan3A_52, %squeeze3A : i32
      scf.yield %add3A_62 : i32
    }
    %scan3A_36 = arith.constant 24 : i32
    %scan3A_37 = arith.constant 0 : i32
    %scan3A_38 = arith.constant 0 : i32
    %scan3A_39 = arith.constant 384 : i32
    %scan3A_40 = arith.addi %scan3A_38, %scan3A_39 : i32
    %scan3A_41 = arith.constant 1 : i32
    %scan3A_42 = scf.for %scan3A_51 = %scan3A_38 to %scan3A_40 step %scan3A_41 iter_args(%scan3A_52 = %scan3A_37) -> (i32)  : i32 {
      %mul3A_53 = arith.constant 16 : i32
      %mul3A_54 = arith.muli %scan3A_51, %mul3A_53 : i32
      %get3A = arith.index_cast %mul3A_54 : i32 to index
      %get3A_55 = tpu.vector_load %arg10[%get3A] {strides = array<i32>} : memref<6144xi32, #tpu.memory_space<vmem>>, vector<16xi32>,
      %get3A_56 = arith.index_cast %mul3A_54 : i32 to index
      %get3A_57 = tpu.vector_load %arg9[%get3A_56] {strides = array<i32>} : memref<6144xi32, #tpu.memory_space<vmem>>, vector<16xi32>,
      %get3A_58 = arith.index_cast %mul3A_54 : i32 to index
      %get3A_59 = tpu.vector_load %arg11[%get3A_58] {strides = array<i32>} : memref<6144xf32, #tpu.memory_space<vmem>>, vector<16xf32>,
      %gather3A = tpu.vector_load_idx %arg16[%get3A_55] : memref<384xi32, #tpu.memory_space<vmem>>[vector<16xi32>], vector<16xi32>,
      %broadcast_in_dim3A_60 = arith.constant true
      %broadcast_in_dim3A_61 = vector.broadcast %broadcast_in_dim3A_60 : i1 to vector<16xi1>
      %unique3A, %unique3A_62 = tpu.scan_count mask(%broadcast_in_dim3A_61 : vector<16xi1>) value(%get3A_55 : vector<16xi32>) : vector<16xi1>, vector<16xi32>
      %add3A = arith.addi %gather3A, %unique3A_62 : vector<16xi32>
      %sub3A = arith.constant 1 : i32
      %sub3A_63 = vector.broadcast %sub3A : i32 to vector<16xi32>
      %sub3A_64 = arith.subi %add3A, %sub3A_63 : vector<16xi32>
      tpu.vector_store_idx %arg12[%sub3A_64], %get3A_57 : memref<6144xi32, #tpu.memory_space<vmem>>[vector<16xi32>], vector<16xi32>,
      tpu.vector_store_idx %arg13[%sub3A_64], %get3A_55 : memref<6144xi32, #tpu.memory_space<vmem>>[vector<16xi32>], vector<16xi32>,
      tpu.vector_store_idx %arg14[%sub3A_64], %get3A_59 : memref<6144xf32, #tpu.memory_space<vmem>>[vector<16xi32>], vector<16xf32>,
      %add3A_65 = arith.addi %gather3A, %unique3A_62 : vector<16xi32>
      tpu.vector_store_idx %arg16[%get3A_55], %add3A_65 masked %unique3A : memref<384xi32, #tpu.memory_space<vmem>>[vector<16xi32>], vector<16xi32>, vector<16xi1>
      %scan3A_66 = arith.constant 0 : i32
      scf.yield %scan3A_66 : i32
    }
    %scan3A_43 = arith.constant 384 : i32
    %scan3A_44 = arith.constant -1 : i32
    %scan3A_45 = arith.constant 0 : i32
    %scan3A_46 = arith.constant 384 : i32
    %scan3A_47 = arith.addi %scan3A_45, %scan3A_46 : i32
    %scan3A_48 = arith.constant 1 : i32
    %scan3A_49:6 = scf.for %scan3A_51 = %scan3A_45 to %scan3A_47 step %scan3A_48 iter_args(%scan3A_52 = %scan3A_44, %scan3A_53 = %broadcast_in_dim3A_7, %scan3A_54 = %broadcast_in_dim3A_7, %scan3A_55 = %broadcast_in_dim3A_7, %scan3A_56 = %broadcast_in_dim3A_7, %scan3A_57 = %broadcast_in_dim3A_7) -> (i32, vector<16xf32>, vector<16xf32>, vector<16xf32>, vector<16xf32>, vector<16xf32>)  : i32 {
      %mul3A_58 = arith.constant 16 : i32
      %mul3A_59 = arith.muli %scan3A_51, %mul3A_58 : i32
      %get3A = arith.index_cast %mul3A_59 : i32 to index
      %get3A_60 = tpu.vector_load %arg13[%get3A] {strides = array<i32>} : memref<6144xi32, #tpu.memory_space<vmem>>, vector<16xi32>,
      %get3A_61 = arith.index_cast %mul3A_59 : i32 to index
      %get3A_62 = tpu.vector_load %arg12[%get3A_61] {strides = array<i32>} : memref<6144xi32, #tpu.memory_space<vmem>>, vector<16xi32>,
      %get3A_63 = arith.index_cast %mul3A_59 : i32 to index
      %get3A_64 = tpu.vector_load %arg14[%get3A_63] {strides = array<i32>} : memref<6144xf32, #tpu.memory_space<vmem>>, vector<16xf32>,
      %slice3A = vector.extract_strided_slice %get3A_60 {offsets = [0], sizes = [1], strides = [1]} : vector<16xi32> to vector<1xi32>
      %squeeze3A = vector.extract %slice3A[0] : i32 from vector<1xi32>
      %slice3A_65 = vector.extract_strided_slice %get3A_62 {offsets = [0], sizes = [1], strides = [1]} : vector<16xi32> to vector<1xi32>
      %squeeze3A_66 = vector.extract %slice3A_65[0] : i32 from vector<1xi32>
      %slice3A_67 = vector.extract_strided_slice %get3A_64 {offsets = [0], sizes = [1], strides = [1]} : vector<16xf32> to vector<1xf32>
      %squeeze3A_68 = vector.extract %slice3A_67[0] : f32 from vector<1xf32>
      %eq3A = arith.cmpi eq, %squeeze3A, %scan3A_52 : i32
      %get3A_69 = arith.index_cast %squeeze3A_66 : i32 to index
      %get3A_70 = arith.constant 0 : index
      %get3A_71 = tpu.vector_load %arg7[%get3A_69, %get3A_70] {strides = array<i32>} : memref<384x80xf32, #tpu.memory_space<vmem>>, vector<16xf32>,
      %mul3A_72 = vector.broadcast %squeeze3A_68 : f32 to vector<16xf32>
      %mul3A_73 = arith.mulf %get3A_71, %mul3A_72 : vector<16xf32>
      %select_n3A = arith.select %eq3A, %scan3A_53, %broadcast_in_dim3A_7 : vector<16xf32>
      %max3A = arith.maximumf %mul3A_73, %select_n3A : vector<16xf32>
      %get3A_74 = arith.index_cast %squeeze3A_66 : i32 to index
      %get3A_75 = arith.constant 16 : index
      %get3A_76 = tpu.vector_load %arg7[%get3A_74, %get3A_75] {strides = array<i32>} : memref<384x80xf32, #tpu.memory_space<vmem>>, vector<16xf32>,
      %mul3A_77 = vector.broadcast %squeeze3A_68 : f32 to vector<16xf32>
      %mul3A_78 = arith.mulf %get3A_76, %mul3A_77 : vector<16xf32>
      %select_n3A_79 = arith.select %eq3A, %scan3A_54, %broadcast_in_dim3A_7 : vector<16xf32>
      %max3A_80 = arith.maximumf %mul3A_78, %select_n3A_79 : vector<16xf32>
      %get3A_81 = arith.index_cast %squeeze3A_66 : i32 to index
      %get3A_82 = arith.constant 32 : index
      %get3A_83 = tpu.vector_load %arg7[%get3A_81, %get3A_82] {strides = array<i32>} : memref<384x80xf32, #tpu.memory_space<vmem>>, vector<16xf32>,
      %mul3A_84 = vector.broadcast %squeeze3A_68 : f32 to vector<16xf32>
      %mul3A_85 = arith.mulf %get3A_83, %mul3A_84 : vector<16xf32>
      %select_n3A_86 = arith.select %eq3A, %scan3A_55, %broadcast_in_dim3A_7 : vector<16xf32>
      %max3A_87 = arith.maximumf %mul3A_85, %select_n3A_86 : vector<16xf32>
      %get3A_88 = arith.index_cast %squeeze3A_66 : i32 to index
      %get3A_89 = arith.constant 48 : index
      %get3A_90 = tpu.vector_load %arg7[%get3A_88, %get3A_89] {strides = array<i32>} : memref<384x80xf32, #tpu.memory_space<vmem>>, vector<16xf32>,
      %mul3A_91 = vector.broadcast %squeeze3A_68 : f32 to vector<16xf32>
      %mul3A_92 = arith.mulf %get3A_90, %mul3A_91 : vector<16xf32>
      %select_n3A_93 = arith.select %eq3A, %scan3A_56, %broadcast_in_dim3A_7 : vector<16xf32>
      %max3A_94 = arith.maximumf %mul3A_92, %select_n3A_93 : vector<16xf32>
      %get3A_95 = arith.index_cast %squeeze3A_66 : i32 to index
      %get3A_96 = arith.constant 64 : index
      %get3A_97 = tpu.vector_load %arg7[%get3A_95, %get3A_96] {strides = array<i32>} : memref<384x80xf32, #tpu.memory_space<vmem>>, vector<16xf32>,
      %mul3A_98 = vector.broadcast %squeeze3A_68 : f32 to vector<16xf32>
      %mul3A_99 = arith.mulf %get3A_97, %mul3A_98 : vector<16xf32>
      %select_n3A_100 = arith.select %eq3A, %scan3A_57, %broadcast_in_dim3A_7 : vector<16xf32>
      %max3A_101 = arith.maximumf %mul3A_99, %select_n3A_100 : vector<16xf32>
      %swap3A = arith.index_cast %squeeze3A : i32 to index
      %swap3A_102 = arith.constant 0 : index
      %swap3A_103 = tpu.vector_load %arg8[%swap3A, %swap3A_102] {strides = array<i32>} : memref<384x80xf32, #tpu.memory_space<vmem>>, vector<16xf32>,
      tpu.vector_store %arg8[%swap3A, %swap3A_102], %max3A {strides = array<i32>} : memref<384x80xf32, #tpu.memory_space<vmem>>, vector<16xf32>,
      %swap3A_104 = arith.index_cast %squeeze3A : i32 to index
      %swap3A_105 = arith.constant 16 : index
      %swap3A_106 = tpu.vector_load %arg8[%swap3A_104, %swap3A_105] {strides = array<i32>} : memref<384x80xf32, #tpu.memory_space<vmem>>, vector<16xf32>,
      tpu.vector_store %arg8[%swap3A_104, %swap3A_105], %max3A_80 {strides = array<i32>} : memref<384x80xf32, #tpu.memory_space<vmem>>, vector<16xf32>,
      %swap3A_107 = arith.index_cast %squeeze3A : i32 to index
      %swap3A_108 = arith.constant 32 : index
      %swap3A_109 = tpu.vector_load %arg8[%swap3A_107, %swap3A_108] {strides = array<i32>} : memref<384x80xf32, #tpu.memory_space<vmem>>, vector<16xf32>,
      tpu.vector_store %arg8[%swap3A_107, %swap3A_108], %max3A_87 {strides = array<i32>} : memref<384x80xf32, #tpu.memory_space<vmem>>, vector<16xf32>,
      %swap3A_110 = arith.index_cast %squeeze3A : i32 to index
      %swap3A_111 = arith.constant 48 : index
      %swap3A_112 = tpu.vector_load %arg8[%swap3A_110, %swap3A_111] {strides = array<i32>} : memref<384x80xf32, #tpu.memory_space<vmem>>, vector<16xf32>,
      tpu.vector_store %arg8[%swap3A_110, %swap3A_111], %max3A_94 {strides = array<i32>} : memref<384x80xf32, #tpu.memory_space<vmem>>, vector<16xf32>,
      %swap3A_113 = arith.index_cast %squeeze3A : i32 to index
      %swap3A_114 = arith.constant 64 : index
      %swap3A_115 = tpu.vector_load %arg8[%swap3A_113, %swap3A_114] {strides = array<i32>} : memref<384x80xf32, #tpu.memory_space<vmem>>, vector<16xf32>,
      tpu.vector_store %arg8[%swap3A_113, %swap3A_114], %max3A_101 {strides = array<i32>} : memref<384x80xf32, #tpu.memory_space<vmem>>, vector<16xf32>,
      %slice3A_116 = vector.extract_strided_slice %get3A_60 {offsets = [1], sizes = [1], strides = [1]} : vector<16xi32> to vector<1xi32>
      %squeeze3A_117 = vector.extract %slice3A_116[0] : i32 from vector<1xi32>
      %slice3A_118 = vector.extract_strided_slice %get3A_62 {offsets = [1], sizes = [1], strides = [1]} : vector<16xi32> to vector<1xi32>
      %squeeze3A_119 = vector.extract %slice3A_118[0] : i32 from vector<1xi32>
      %slice3A_120 = vector.extract_strided_slice %get3A_64 {offsets = [1], sizes = [1], strides = [1]} : vector<16xf32> to vector<1xf32>
      %squeeze3A_121 = vector.extract %slice3A_120[0] : f32 from vector<1xf32>
      %eq3A_122 = arith.cmpi eq, %squeeze3A_117, %squeeze3A : i32
      %get3A_123 = arith.index_cast %squeeze3A_119 : i32 to index
      %get3A_124 = arith.constant 0 : index
      %get3A_125 = tpu.vector_load %arg7[%get3A_123, %get3A_124] {strides = array<i32>} : memref<384x80xf32, #tpu.memory_space<vmem>>, vector<16xf32>,
      %mul3A_126 = vector.broadcast %squeeze3A_121 : f32 to vector<16xf32>
      %mul3A_127 = arith.mulf %get3A_125, %mul3A_126 : vector<16xf32>
      %select_n3A_128 = arith.select %eq3A_122, %max3A, %broadcast_in_dim3A_7 : vector<16xf32>
      %max3A_129 = arith.maximumf %mul3A_127, %select_n3A_128 : vector<16xf32>
      %get3A_130 = arith.index_cast %squeeze3A_119 : i32 to index
      %get3A_131 = arith.constant 16 : index
      %get3A_132 = tpu.vector_load %arg7[%get3A_130, %get3A_131] {strides = array<i32>} : memref<384x80xf32, #tpu.memory_space<vmem>>, vector<16xf32>,
      %mul3A_133 = vector.broadcast %squeeze3A_121 : f32 to vector<16xf32>
      %mul3A_134 = arith.mulf %get3A_132, %mul3A_133 : vector<16xf32>
      %select_n3A_135 = arith.select %eq3A_122, %max3A_80, %broadcast_in_dim3A_7 : vector<16xf32>
      %max3A_136 = arith.maximumf %mul3A_134, %select_n3A_135 : vector<16xf32>
      %get3A_137 = arith.index_cast %squeeze3A_119 : i32 to index
      %get3A_138 = arith.constant 32 : index
      %get3A_139 = tpu.vector_load %arg7[%get3A_137, %get3A_138] {strides = array<i32>} : memref<384x80xf32, #tpu.memory_space<vmem>>, vector<16xf32>,
      %mul3A_140 = vector.broadcast %squeeze3A_121 : f32 to vector<16xf32>
      %mul3A_141 = arith.mulf %get3A_139, %mul3A_140 : vector<16xf32>
      %select_n3A_142 = arith.select %eq3A_122, %max3A_87, %broadcast_in_dim3A_7 : vector<16xf32>
      %max3A_143 = arith.maximumf %mul3A_141, %select_n3A_142 : vector<16xf32>
      %get3A_144 = arith.index_cast %squeeze3A_119 : i32 to index
      %get3A_145 = arith.constant 48 : index
      %get3A_146 = tpu.vector_load %arg7[%get3A_144, %get3A_145] {strides = array<i32>} : memref<384x80xf32, #tpu.memory_space<vmem>>, vector<16xf32>,
      %mul3A_147 = vector.broadcast %squeeze3A_121 : f32 to vector<16xf32>
      %mul3A_148 = arith.mulf %get3A_146, %mul3A_147 : vector<16xf32>
      %select_n3A_149 = arith.select %eq3A_122, %max3A_94, %broadcast_in_dim3A_7 : vector<16xf32>
      %max3A_150 = arith.maximumf %mul3A_148, %select_n3A_149 : vector<16xf32>
      %get3A_151 = arith.index_cast %squeeze3A_119 : i32 to index
      %get3A_152 = arith.constant 64 : index
      %get3A_153 = tpu.vector_load %arg7[%get3A_151, %get3A_152] {strides = array<i32>} : memref<384x80xf32, #tpu.memory_space<vmem>>, vector<16xf32>,
      %mul3A_154 = vector.broadcast %squeeze3A_121 : f32 to vector<16xf32>
      %mul3A_155 = arith.mulf %get3A_153, %mul3A_154 : vector<16xf32>
      %select_n3A_156 = arith.select %eq3A_122, %max3A_101, %broadcast_in_dim3A_7 : vector<16xf32>
      %max3A_157 = arith.maximumf %mul3A_155, %select_n3A_156 : vector<16xf32>
      %swap3A_158 = arith.index_cast %squeeze3A_117 : i32 to index
      %swap3A_159 = arith.constant 0 : index
      %swap3A_160 = tpu.vector_load %arg8[%swap3A_158, %swap3A_159] {strides = array<i32>} : memref<384x80xf32, #tpu.memory_space<vmem>>, vector<16xf32>,
      tpu.vector_store %arg8[%swap3A_158, %swap3A_159], %max3A_129 {strides = array<i32>} : memref<384x80xf32, #tpu.memory_space<vmem>>, vector<16xf32>,
      %swap3A_161 = arith.index_cast %squeeze3A_117 : i32 to index
      %swap3A_162 = arith.constant 16 : index
      %swap3A_163 = tpu.vector_load %arg8[%swap3A_161, %swap3A_162] {strides = array<i32>} : memref<384x80xf32, #tpu.memory_space<vmem>>, vector<16xf32>,
      tpu.vector_store %arg8[%swap3A_161, %swap3A_162], %max3A_136 {strides = array<i32>} : memref<384x80xf32, #tpu.memory_space<vmem>>, vector<16xf32>,
      %swap3A_164 = arith.index_cast %squeeze3A_117 : i32 to index
      %swap3A_165 = arith.constant 32 : index
      %swap3A_166 = tpu.vector_load %arg8[%swap3A_164, %swap3A_165] {strides = array<i32>} : memref<384x80xf32, #tpu.memory_space<vmem>>, vector<16xf32>,
      tpu.vector_store %arg8[%swap3A_164, %swap3A_165], %max3A_143 {strides = array<i32>} : memref<384x80xf32, #tpu.memory_space<vmem>>, vector<16xf32>,
      %swap3A_167 = arith.index_cast %squeeze3A_117 : i32 to index
      %swap3A_168 = arith.constant 48 : index
      %swap3A_169 = tpu.vector_load %arg8[%swap3A_167, %swap3A_168] {strides = array<i32>} : memref<384x80xf32, #tpu.memory_space<vmem>>, vector<16xf32>,
      tpu.vector_store %arg8[%swap3A_167, %swap3A_168], %max3A_150 {strides = array<i32>} : memref<384x80xf32, #tpu.memory_space<vmem>>, vector<16xf32>,
      %swap3A_170 = arith.index_cast %squeeze3A_117 : i32 to index
      %swap3A_171 = arith.constant 64 : index
      %swap3A_172 = tpu.vector_load %arg8[%swap3A_170, %swap3A_171] {strides = array<i32>} : memref<384x80xf32, #tpu.memory_space<vmem>>, vector<16xf32>,
      tpu.vector_store %arg8[%swap3A_170, %swap3A_171], %max3A_157 {strides = array<i32>} : memref<384x80xf32, #tpu.memory_space<vmem>>, vector<16xf32>,
      %slice3A_173 = vector.extract_strided_slice %get3A_60 {offsets = [2], sizes = [1], strides = [1]} : vector<16xi32> to vector<1xi32>
      %squeeze3A_174 = vector.extract %slice3A_173[0] : i32 from vector<1xi32>
      %slice3A_175 = vector.extract_strided_slice %get3A_62 {offsets = [2], sizes = [1], strides = [1]} : vector<16xi32> to vector<1xi32>
      %squeeze3A_176 = vector.extract %slice3A_175[0] : i32 from vector<1xi32>
      %slice3A_177 = vector.extract_strided_slice %get3A_64 {offsets = [2], sizes = [1], strides = [1]} : vector<16xf32> to vector<1xf32>
      %squeeze3A_178 = vector.extract %slice3A_177[0] : f32 from vector<1xf32>
      %eq3A_179 = arith.cmpi eq, %squeeze3A_174, %squeeze3A_117 : i32
      %get3A_180 = arith.index_cast %squeeze3A_176 : i32 to index
      %get3A_181 = arith.constant 0 : index
      %get3A_182 = tpu.vector_load %arg7[%get3A_180, %get3A_181] {strides = array<i32>} : memref<384x80xf32, #tpu.memory_space<vmem>>, vector<16xf32>,
      %mul3A_183 = vector.broadcast %squeeze3A_178 : f32 to vector<16xf32>
      %mul3A_184 = arith.mulf %get3A_182, %mul3A_183 : vector<16xf32>
      %select_n3A_185 = arith.select %eq3A_179, %max3A_129, %broadcast_in_dim3A_7 : vector<16xf32>
      %max3A_186 = arith.maximumf %mul3A_184, %select_n3A_185 : vector<16xf32>
      %get3A_187 = arith.index_cast %squeeze3A_176 : i32 to index
      %get3A_188 = arith.constant 16 : index
      %get3A_189 = tpu.vector_load %arg7[%get3A_187, %get3A_188] {strides = array<i32>} : memref<384x80xf32, #tpu.memory_space<vmem>>, vector<16xf32>,
      %mul3A_190 = vector.broadcast %squeeze3A_178 : f32 to vector<16xf32>
      %mul3A_191 = arith.mulf %get3A_189, %mul3A_190 : vector<16xf32>
      %select_n3A_192 = arith.select %eq3A_179, %max3A_136, %broadcast_in_dim3A_7 : vector<16xf32>
      %max3A_193 = arith.maximumf %mul3A_191, %select_n3A_192 : vector<16xf32>
      %get3A_194 = arith.index_cast %squeeze3A_176 : i32 to index
      %get3A_195 = arith.constant 32 : index
      %get3A_196 = tpu.vector_load %arg7[%get3A_194, %get3A_195] {strides = array<i32>} : memref<384x80xf32, #tpu.memory_space<vmem>>, vector<16xf32>,
      %mul3A_197 = vector.broadcast %squeeze3A_178 : f32 to vector<16xf32>
      %mul3A_198 = arith.mulf %get3A_196, %mul3A_197 : vector<16xf32>
      %select_n3A_199 = arith.select %eq3A_179, %max3A_143, %broadcast_in_dim3A_7 : vector<16xf32>
      %max3A_200 = arith.maximumf %mul3A_198, %select_n3A_199 : vector<16xf32>
      %get3A_201 = arith.index_cast %squeeze3A_176 : i32 to index
      %get3A_202 = arith.constant 48 : index
      %get3A_203 = tpu.vector_load %arg7[%get3A_201, %get3A_202] {strides = array<i32>} : memref<384x80xf32, #tpu.memory_space<vmem>>, vector<16xf32>,
      %mul3A_204 = vector.broadcast %squeeze3A_178 : f32 to vector<16xf32>
      %mul3A_205 = arith.mulf %get3A_203, %mul3A_204 : vector<16xf32>
      %select_n3A_206 = arith.select %eq3A_179, %max3A_150, %broadcast_in_dim3A_7 : vector<16xf32>
      %max3A_207 = arith.maximumf %mul3A_205, %select_n3A_206 : vector<16xf32>
      %get3A_208 = arith.index_cast %squeeze3A_176 : i32 to index
      %get3A_209 = arith.constant 64 : index
      %get3A_210 = tpu.vector_load %arg7[%get3A_208, %get3A_209] {strides = array<i32>} : memref<384x80xf32, #tpu.memory_space<vmem>>, vector<16xf32>,
      %mul3A_211 = vector.broadcast %squeeze3A_178 : f32 to vector<16xf32>
      %mul3A_212 = arith.mulf %get3A_210, %mul3A_211 : vector<16xf32>
      %select_n3A_213 = arith.select %eq3A_179, %max3A_157, %broadcast_in_dim3A_7 : vector<16xf32>
      %max3A_214 = arith.maximumf %mul3A_212, %select_n3A_213 : vector<16xf32>
      %swap3A_215 = arith.index_cast %squeeze3A_174 : i32 to index
      %swap3A_216 = arith.constant 0 : index
      %swap3A_217 = tpu.vector_load %arg8[%swap3A_215, %swap3A_216] {strides = array<i32>} : memref<384x80xf32, #tpu.memory_space<vmem>>, vector<16xf32>,
      tpu.vector_store %arg8[%swap3A_215, %swap3A_216], %max3A_186 {strides = array<i32>} : memref<384x80xf32, #tpu.memory_space<vmem>>, vector<16xf32>,
      %swap3A_218 = arith.index_cast %squeeze3A_174 : i32 to index
      %swap3A_219 = arith.constant 16 : index
      %swap3A_220 = tpu.vector_load %arg8[%swap3A_218, %swap3A_219] {strides = array<i32>} : memref<384x80xf32, #tpu.memory_space<vmem>>, vector<16xf32>,
      tpu.vector_store %arg8[%swap3A_218, %swap3A_219], %max3A_193 {strides = array<i32>} : memref<384x80xf32, #tpu.memory_space<vmem>>, vector<16xf32>,
      %swap3A_221 = arith.index_cast %squeeze3A_174 : i32 to index
      %swap3A_222 = arith.constant 32 : index
      %swap3A_223 = tpu.vector_load %arg8[%swap3A_221, %swap3A_222] {strides = array<i32>} : memref<384x80xf32, #tpu.memory_space<vmem>>, vector<16xf32>,
      tpu.vector_store %arg8[%swap3A_221, %swap3A_222], %max3A_200 {strides = array<i32>} : memref<384x80xf32, #tpu.memory_space<vmem>>, vector<16xf32>,
      %swap3A_224 = arith.index_cast %squeeze3A_174 : i32 to index
      %swap3A_225 = arith.constant 48 : index
      %swap3A_226 = tpu.vector_load %arg8[%swap3A_224, %swap3A_225] {strides = array<i32>} : memref<384x80xf32, #tpu.memory_space<vmem>>, vector<16xf32>,
      tpu.vector_store %arg8[%swap3A_224, %swap3A_225], %max3A_207 {strides = array<i32>} : memref<384x80xf32, #tpu.memory_space<vmem>>, vector<16xf32>,
      %swap3A_227 = arith.index_cast %squeeze3A_174 : i32 to index
      %swap3A_228 = arith.constant 64 : index
      %swap3A_229 = tpu.vector_load %arg8[%swap3A_227, %swap3A_228] {strides = array<i32>} : memref<384x80xf32, #tpu.memory_space<vmem>>, vector<16xf32>,
      tpu.vector_store %arg8[%swap3A_227, %swap3A_228], %max3A_214 {strides = array<i32>} : memref<384x80xf32, #tpu.memory_space<vmem>>, vector<16xf32>,
      %slice3A_230 = vector.extract_strided_slice %get3A_60 {offsets = [3], sizes = [1], strides = [1]} : vector<16xi32> to vector<1xi32>
      %squeeze3A_231 = vector.extract %slice3A_230[0] : i32 from vector<1xi32>
      %slice3A_232 = vector.extract_strided_slice %get3A_62 {offsets = [3], sizes = [1], strides = [1]} : vector<16xi32> to vector<1xi32>
      %squeeze3A_233 = vector.extract %slice3A_232[0] : i32 from vector<1xi32>
      %slice3A_234 = vector.extract_strided_slice %get3A_64 {offsets = [3], sizes = [1], strides = [1]} : vector<16xf32> to vector<1xf32>
      %squeeze3A_235 = vector.extract %slice3A_234[0] : f32 from vector<1xf32>
      %eq3A_236 = arith.cmpi eq, %squeeze3A_231, %squeeze3A_174 : i32
      %get3A_237 = arith.index_cast %squeeze3A_233 : i32 to index
      %get3A_238 = arith.constant 0 : index
      %get3A_239 = tpu.vector_load %arg7[%get3A_237, %get3A_238] {strides = array<i32>} : memref<384x80xf32, #tpu.memory_space<vmem>>, vector<16xf32>,
      %mul3A_240 = vector.broadcast %squeeze3A_235 : f32 to vector<16xf32>
      %mul3A_241 = arith.mulf %get3A_239, %mul3A_240 : vector<16xf32>
      %select_n3A_242 = arith.select %eq3A_236, %max3A_186, %broadcast_in_dim3A_7 : vector<16xf32>
      %max3A_243 = arith.maximumf %mul3A_241, %select_n3A_242 : vector<16xf32>
      %get3A_244 = arith.index_cast %squeeze3A_233 : i32 to index
      %get3A_245 = arith.constant 16 : index
      %get3A_246 = tpu.vector_load %arg7[%get3A_244, %get3A_245] {strides = array<i32>} : memref<384x80xf32, #tpu.memory_space<vmem>>, vector<16xf32>,
      %mul3A_247 = vector.broadcast %squeeze3A_235 : f32 to vector<16xf32>
      %mul3A_248 = arith.mulf %get3A_246, %mul3A_247 : vector<16xf32>
      %select_n3A_249 = arith.select %eq3A_236, %max3A_193, %broadcast_in_dim3A_7 : vector<16xf32>
      %max3A_250 = arith.maximumf %mul3A_248, %select_n3A_249 : vector<16xf32>
      %get3A_251 = arith.index_cast %squeeze3A_233 : i32 to index
      %get3A_252 = arith.constant 32 : index
      %get3A_253 = tpu.vector_load %arg7[%get3A_251, %get3A_252] {strides = array<i32>} : memref<384x80xf32, #tpu.memory_space<vmem>>, vector<16xf32>,
      %mul3A_254 = vector.broadcast %squeeze3A_235 : f32 to vector<16xf32>
      %mul3A_255 = arith.mulf %get3A_253, %mul3A_254 : vector<16xf32>
      %select_n3A_256 = arith.select %eq3A_236, %max3A_200, %broadcast_in_dim3A_7 : vector<16xf32>
      %max3A_257 = arith.maximumf %mul3A_255, %select_n3A_256 : vector<16xf32>
      %get3A_258 = arith.index_cast %squeeze3A_233 : i32 to index
      %get3A_259 = arith.constant 48 : index
      %get3A_260 = tpu.vector_load %arg7[%get3A_258, %get3A_259] {strides = array<i32>} : memref<384x80xf32, #tpu.memory_space<vmem>>, vector<16xf32>,
      %mul3A_261 = vector.broadcast %squeeze3A_235 : f32 to vector<16xf32>
      %mul3A_262 = arith.mulf %get3A_260, %mul3A_261 : vector<16xf32>
      %select_n3A_263 = arith.select %eq3A_236, %max3A_207, %broadcast_in_dim3A_7 : vector<16xf32>
      %max3A_264 = arith.maximumf %mul3A_262, %select_n3A_263 : vector<16xf32>
      %get3A_265 = arith.index_cast %squeeze3A_233 : i32 to index
      %get3A_266 = arith.constant 64 : index
      %get3A_267 = tpu.vector_load %arg7[%get3A_265, %get3A_266] {strides = array<i32>} : memref<384x80xf32, #tpu.memory_space<vmem>>, vector<16xf32>,
      %mul3A_268 = vector.broadcast %squeeze3A_235 : f32 to vector<16xf32>
      %mul3A_269 = arith.mulf %get3A_267, %mul3A_268 : vector<16xf32>
      %select_n3A_270 = arith.select %eq3A_236, %max3A_214, %broadcast_in_dim3A_7 : vector<16xf32>
      %max3A_271 = arith.maximumf %mul3A_269, %select_n3A_270 : vector<16xf32>
      %swap3A_272 = arith.index_cast %squeeze3A_231 : i32 to index
      %swap3A_273 = arith.constant 0 : index
      %swap3A_274 = tpu.vector_load %arg8[%swap3A_272, %swap3A_273] {strides = array<i32>} : memref<384x80xf32, #tpu.memory_space<vmem>>, vector<16xf32>,
      tpu.vector_store %arg8[%swap3A_272, %swap3A_273], %max3A_243 {strides = array<i32>} : memref<384x80xf32, #tpu.memory_space<vmem>>, vector<16xf32>,
      %swap3A_275 = arith.index_cast %squeeze3A_231 : i32 to index
      %swap3A_276 = arith.constant 16 : index
      %swap3A_277 = tpu.vector_load %arg8[%swap3A_275, %swap3A_276] {strides = array<i32>} : memref<384x80xf32, #tpu.memory_space<vmem>>, vector<16xf32>,
      tpu.vector_store %arg8[%swap3A_275, %swap3A_276], %max3A_250 {strides = array<i32>} : memref<384x80xf32, #tpu.memory_space<vmem>>, vector<16xf32>,
      %swap3A_278 = arith.index_cast %squeeze3A_231 : i32 to index
      %swap3A_279 = arith.constant 32 : index
      %swap3A_280 = tpu.vector_load %arg8[%swap3A_278, %swap3A_279] {strides = array<i32>} : memref<384x80xf32, #tpu.memory_space<vmem>>, vector<16xf32>,
      tpu.vector_store %arg8[%swap3A_278, %swap3A_279], %max3A_257 {strides = array<i32>} : memref<384x80xf32, #tpu.memory_space<vmem>>, vector<16xf32>,
      %swap3A_281 = arith.index_cast %squeeze3A_231 : i32 to index
      %swap3A_282 = arith.constant 48 : index
      %swap3A_283 = tpu.vector_load %arg8[%swap3A_281, %swap3A_282] {strides = array<i32>} : memref<384x80xf32, #tpu.memory_space<vmem>>, vector<16xf32>,
      tpu.vector_store %arg8[%swap3A_281, %swap3A_282], %max3A_264 {strides = array<i32>} : memref<384x80xf32, #tpu.memory_space<vmem>>, vector<16xf32>,
      %swap3A_284 = arith.index_cast %squeeze3A_231 : i32 to index
      %swap3A_285 = arith.constant 64 : index
      %swap3A_286 = tpu.vector_load %arg8[%swap3A_284, %swap3A_285] {strides = array<i32>} : memref<384x80xf32, #tpu.memory_space<vmem>>, vector<16xf32>,
      tpu.vector_store %arg8[%swap3A_284, %swap3A_285], %max3A_271 {strides = array<i32>} : memref<384x80xf32, #tpu.memory_space<vmem>>, vector<16xf32>,
      %slice3A_287 = vector.extract_strided_slice %get3A_60 {offsets = [4], sizes = [1], strides = [1]} : vector<16xi32> to vector<1xi32>
      %squeeze3A_288 = vector.extract %slice3A_287[0] : i32 from vector<1xi32>
      %slice3A_289 = vector.extract_strided_slice %get3A_62 {offsets = [4], sizes = [1], strides = [1]} : vector<16xi32> to vector<1xi32>
      %squeeze3A_290 = vector.extract %slice3A_289[0] : i32 from vector<1xi32>
      %slice3A_291 = vector.extract_strided_slice %get3A_64 {offsets = [4], sizes = [1], strides = [1]} : vector<16xf32> to vector<1xf32>
      %squeeze3A_292 = vector.extract %slice3A_291[0] : f32 from vector<1xf32>
      %eq3A_293 = arith.cmpi eq, %squeeze3A_288, %squeeze3A_231 : i32
      %get3A_294 = arith.index_cast %squeeze3A_290 : i32 to index
      %get3A_295 = arith.constant 0 : index
      %get3A_296 = tpu.vector_load %arg7[%get3A_294, %get3A_295] {strides = array<i32>} : memref<384x80xf32, #tpu.memory_space<vmem>>, vector<16xf32>,
      %mul3A_297 = vector.broadcast %squeeze3A_292 : f32 to vector<16xf32>
      %mul3A_298 = arith.mulf %get3A_296, %mul3A_297 : vector<16xf32>
      %select_n3A_299 = arith.select %eq3A_293, %max3A_243, %broadcast_in_dim3A_7 : vector<16xf32>
      %max3A_300 = arith.maximumf %mul3A_298, %select_n3A_299 : vector<16xf32>
      %get3A_301 = arith.index_cast %squeeze3A_290 : i32 to index
      %get3A_302 = arith.constant 16 : index
      %get3A_303 = tpu.vector_load %arg7[%get3A_301, %get3A_302] {strides = array<i32>} : memref<384x80xf32, #tpu.memory_space<vmem>>, vector<16xf32>,
      %mul3A_304 = vector.broadcast %squeeze3A_292 : f32 to vector<16xf32>
      %mul3A_305 = arith.mulf %get3A_303, %mul3A_304 : vector<16xf32>
      %select_n3A_306 = arith.select %eq3A_293, %max3A_250, %broadcast_in_dim3A_7 : vector<16xf32>
      %max3A_307 = arith.maximumf %mul3A_305, %select_n3A_306 : vector<16xf32>
      %get3A_308 = arith.index_cast %squeeze3A_290 : i32 to index
      %get3A_309 = arith.constant 32 : index
      %get3A_310 = tpu.vector_load %arg7[%get3A_308, %get3A_309] {strides = array<i32>} : memref<384x80xf32, #tpu.memory_space<vmem>>, vector<16xf32>,
      %mul3A_311 = vector.broadcast %squeeze3A_292 : f32 to vector<16xf32>
      %mul3A_312 = arith.mulf %get3A_310, %mul3A_311 : vector<16xf32>
      %select_n3A_313 = arith.select %eq3A_293, %max3A_257, %broadcast_in_dim3A_7 : vector<16xf32>
      %max3A_314 = arith.maximumf %mul3A_312, %select_n3A_313 : vector<16xf32>
      %get3A_315 = arith.index_cast %squeeze3A_290 : i32 to index
      %get3A_316 = arith.constant 48 : index
      %get3A_317 = tpu.vector_load %arg7[%get3A_315, %get3A_316] {strides = array<i32>} : memref<384x80xf32, #tpu.memory_space<vmem>>, vector<16xf32>,
      %mul3A_318 = vector.broadcast %squeeze3A_292 : f32 to vector<16xf32>
      %mul3A_319 = arith.mulf %get3A_317, %mul3A_318 : vector<16xf32>
      %select_n3A_320 = arith.select %eq3A_293, %max3A_264, %broadcast_in_dim3A_7 : vector<16xf32>
      %max3A_321 = arith.maximumf %mul3A_319, %select_n3A_320 : vector<16xf32>
      %get3A_322 = arith.index_cast %squeeze3A_290 : i32 to index
      %get3A_323 = arith.constant 64 : index
      %get3A_324 = tpu.vector_load %arg7[%get3A_322, %get3A_323] {strides = array<i32>} : memref<384x80xf32, #tpu.memory_space<vmem>>, vector<16xf32>,
      %mul3A_325 = vector.broadcast %squeeze3A_292 : f32 to vector<16xf32>
      %mul3A_326 = arith.mulf %get3A_324, %mul3A_325 : vector<16xf32>
      %select_n3A_327 = arith.select %eq3A_293, %max3A_271, %broadcast_in_dim3A_7 : vector<16xf32>
      %max3A_328 = arith.maximumf %mul3A_326, %select_n3A_327 : vector<16xf32>
      %swap3A_329 = arith.index_cast %squeeze3A_288 : i32 to index
      %swap3A_330 = arith.constant 0 : index
      %swap3A_331 = tpu.vector_load %arg8[%swap3A_329, %swap3A_330] {strides = array<i32>} : memref<384x80xf32, #tpu.memory_space<vmem>>, vector<16xf32>,
      tpu.vector_store %arg8[%swap3A_329, %swap3A_330], %max3A_300 {strides = array<i32>} : memref<384x80xf32, #tpu.memory_space<vmem>>, vector<16xf32>,
      %swap3A_332 = arith.index_cast %squeeze3A_288 : i32 to index
      %swap3A_333 = arith.constant 16 : index
      %swap3A_334 = tpu.vector_load %arg8[%swap3A_332, %swap3A_333] {strides = array<i32>} : memref<384x80xf32, #tpu.memory_space<vmem>>, vector<16xf32>,
      tpu.vector_store %arg8[%swap3A_332, %swap3A_333], %max3A_307 {strides = array<i32>} : memref<384x80xf32, #tpu.memory_space<vmem>>, vector<16xf32>,
      %swap3A_335 = arith.index_cast %squeeze3A_288 : i32 to index
      %swap3A_336 = arith.constant 32 : index
      %swap3A_337 = tpu.vector_load %arg8[%swap3A_335, %swap3A_336] {strides = array<i32>} : memref<384x80xf32, #tpu.memory_space<vmem>>, vector<16xf32>,
      tpu.vector_store %arg8[%swap3A_335, %swap3A_336], %max3A_314 {strides = array<i32>} : memref<384x80xf32, #tpu.memory_space<vmem>>, vector<16xf32>,
      %swap3A_338 = arith.index_cast %squeeze3A_288 : i32 to index
      %swap3A_339 = arith.constant 48 : index
      %swap3A_340 = tpu.vector_load %arg8[%swap3A_338, %swap3A_339] {strides = array<i32>} : memref<384x80xf32, #tpu.memory_space<vmem>>, vector<16xf32>,
      tpu.vector_store %arg8[%swap3A_338, %swap3A_339], %max3A_321 {strides = array<i32>} : memref<384x80xf32, #tpu.memory_space<vmem>>, vector<16xf32>,
      %swap3A_341 = arith.index_cast %squeeze3A_288 : i32 to index
      %swap3A_342 = arith.constant 64 : index
      %swap3A_343 = tpu.vector_load %arg8[%swap3A_341, %swap3A_342] {strides = array<i32>} : memref<384x80xf32, #tpu.memory_space<vmem>>, vector<16xf32>,
      tpu.vector_store %arg8[%swap3A_341, %swap3A_342], %max3A_328 {strides = array<i32>} : memref<384x80xf32, #tpu.memory_space<vmem>>, vector<16xf32>,
      %slice3A_344 = vector.extract_strided_slice %get3A_60 {offsets = [5], sizes = [1], strides = [1]} : vector<16xi32> to vector<1xi32>
      %squeeze3A_345 = vector.extract %slice3A_344[0] : i32 from vector<1xi32>
      %slice3A_346 = vector.extract_strided_slice %get3A_62 {offsets = [5], sizes = [1], strides = [1]} : vector<16xi32> to vector<1xi32>
      %squeeze3A_347 = vector.extract %slice3A_346[0] : i32 from vector<1xi32>
      %slice3A_348 = vector.extract_strided_slice %get3A_64 {offsets = [5], sizes = [1], strides = [1]} : vector<16xf32> to vector<1xf32>
      %squeeze3A_349 = vector.extract %slice3A_348[0] : f32 from vector<1xf32>
      %eq3A_350 = arith.cmpi eq, %squeeze3A_345, %squeeze3A_288 : i32
      %get3A_351 = arith.index_cast %squeeze3A_347 : i32 to index
      %get3A_352 = arith.constant 0 : index
      %get3A_353 = tpu.vector_load %arg7[%get3A_351, %get3A_352] {strides = array<i32>} : memref<384x80xf32, #tpu.memory_space<vmem>>, vector<16xf32>,
      %mul3A_354 = vector.broadcast %squeeze3A_349 : f32 to vector<16xf32>
      %mul3A_355 = arith.mulf %get3A_353, %mul3A_354 : vector<16xf32>
      %select_n3A_356 = arith.select %eq3A_350, %max3A_300, %broadcast_in_dim3A_7 : vector<16xf32>
      %max3A_357 = arith.maximumf %mul3A_355, %select_n3A_356 : vector<16xf32>
      %get3A_358 = arith.index_cast %squeeze3A_347 : i32 to index
      %get3A_359 = arith.constant 16 : index
      %get3A_360 = tpu.vector_load %arg7[%get3A_358, %get3A_359] {strides = array<i32>} : memref<384x80xf32, #tpu.memory_space<vmem>>, vector<16xf32>,
      %mul3A_361 = vector.broadcast %squeeze3A_349 : f32 to vector<16xf32>
      %mul3A_362 = arith.mulf %get3A_360, %mul3A_361 : vector<16xf32>
      %select_n3A_363 = arith.select %eq3A_350, %max3A_307, %broadcast_in_dim3A_7 : vector<16xf32>
      %max3A_364 = arith.maximumf %mul3A_362, %select_n3A_363 : vector<16xf32>
      %get3A_365 = arith.index_cast %squeeze3A_347 : i32 to index
      %get3A_366 = arith.constant 32 : index
      %get3A_367 = tpu.vector_load %arg7[%get3A_365, %get3A_366] {strides = array<i32>} : memref<384x80xf32, #tpu.memory_space<vmem>>, vector<16xf32>,
      %mul3A_368 = vector.broadcast %squeeze3A_349 : f32 to vector<16xf32>
      %mul3A_369 = arith.mulf %get3A_367, %mul3A_368 : vector<16xf32>
      %select_n3A_370 = arith.select %eq3A_350, %max3A_314, %broadcast_in_dim3A_7 : vector<16xf32>
      %max3A_371 = arith.maximumf %mul3A_369, %select_n3A_370 : vector<16xf32>
      %get3A_372 = arith.index_cast %squeeze3A_347 : i32 to index
      %get3A_373 = arith.constant 48 : index
      %get3A_374 = tpu.vector_load %arg7[%get3A_372, %get3A_373] {strides = array<i32>} : memref<384x80xf32, #tpu.memory_space<vmem>>, vector<16xf32>,
      %mul3A_375 = vector.broadcast %squeeze3A_349 : f32 to vector<16xf32>
      %mul3A_376 = arith.mulf %get3A_374, %mul3A_375 : vector<16xf32>
      %select_n3A_377 = arith.select %eq3A_350, %max3A_321, %broadcast_in_dim3A_7 : vector<16xf32>
      %max3A_378 = arith.maximumf %mul3A_376, %select_n3A_377 : vector<16xf32>
      %get3A_379 = arith.index_cast %squeeze3A_347 : i32 to index
      %get3A_380 = arith.constant 64 : index
      %get3A_381 = tpu.vector_load %arg7[%get3A_379, %get3A_380] {strides = array<i32>} : memref<384x80xf32, #tpu.memory_space<vmem>>, vector<16xf32>,
      %mul3A_382 = vector.broadcast %squeeze3A_349 : f32 to vector<16xf32>
      %mul3A_383 = arith.mulf %get3A_381, %mul3A_382 : vector<16xf32>
      %select_n3A_384 = arith.select %eq3A_350, %max3A_328, %broadcast_in_dim3A_7 : vector<16xf32>
      %max3A_385 = arith.maximumf %mul3A_383, %select_n3A_384 : vector<16xf32>
      %swap3A_386 = arith.index_cast %squeeze3A_345 : i32 to index
      %swap3A_387 = arith.constant 0 : index
      %swap3A_388 = tpu.vector_load %arg8[%swap3A_386, %swap3A_387] {strides = array<i32>} : memref<384x80xf32, #tpu.memory_space<vmem>>, vector<16xf32>,
      tpu.vector_store %arg8[%swap3A_386, %swap3A_387], %max3A_357 {strides = array<i32>} : memref<384x80xf32, #tpu.memory_space<vmem>>, vector<16xf32>,
      %swap3A_389 = arith.index_cast %squeeze3A_345 : i32 to index
      %swap3A_390 = arith.constant 16 : index
      %swap3A_391 = tpu.vector_load %arg8[%swap3A_389, %swap3A_390] {strides = array<i32>} : memref<384x80xf32, #tpu.memory_space<vmem>>, vector<16xf32>,
      tpu.vector_store %arg8[%swap3A_389, %swap3A_390], %max3A_364 {strides = array<i32>} : memref<384x80xf32, #tpu.memory_space<vmem>>, vector<16xf32>,
      %swap3A_392 = arith.index_cast %squeeze3A_345 : i32 to index
      %swap3A_393 = arith.constant 32 : index
      %swap3A_394 = tpu.vector_load %arg8[%swap3A_392, %swap3A_393] {strides = array<i32>} : memref<384x80xf32, #tpu.memory_space<vmem>>, vector<16xf32>,
      tpu.vector_store %arg8[%swap3A_392, %swap3A_393], %max3A_371 {strides = array<i32>} : memref<384x80xf32, #tpu.memory_space<vmem>>, vector<16xf32>,
      %swap3A_395 = arith.index_cast %squeeze3A_345 : i32 to index
      %swap3A_396 = arith.constant 48 : index
      %swap3A_397 = tpu.vector_load %arg8[%swap3A_395, %swap3A_396] {strides = array<i32>} : memref<384x80xf32, #tpu.memory_space<vmem>>, vector<16xf32>,
      tpu.vector_store %arg8[%swap3A_395, %swap3A_396], %max3A_378 {strides = array<i32>} : memref<384x80xf32, #tpu.memory_space<vmem>>, vector<16xf32>,
      %swap3A_398 = arith.index_cast %squeeze3A_345 : i32 to index
      %swap3A_399 = arith.constant 64 : index
      %swap3A_400 = tpu.vector_load %arg8[%swap3A_398, %swap3A_399] {strides = array<i32>} : memref<384x80xf32, #tpu.memory_space<vmem>>, vector<16xf32>,
      tpu.vector_store %arg8[%swap3A_398, %swap3A_399], %max3A_385 {strides = array<i32>} : memref<384x80xf32, #tpu.memory_space<vmem>>, vector<16xf32>,
      %slice3A_401 = vector.extract_strided_slice %get3A_60 {offsets = [6], sizes = [1], strides = [1]} : vector<16xi32> to vector<1xi32>
      %squeeze3A_402 = vector.extract %slice3A_401[0] : i32 from vector<1xi32>
      %slice3A_403 = vector.extract_strided_slice %get3A_62 {offsets = [6], sizes = [1], strides = [1]} : vector<16xi32> to vector<1xi32>
      %squeeze3A_404 = vector.extract %slice3A_403[0] : i32 from vector<1xi32>
      %slice3A_405 = vector.extract_strided_slice %get3A_64 {offsets = [6], sizes = [1], strides = [1]} : vector<16xf32> to vector<1xf32>
      %squeeze3A_406 = vector.extract %slice3A_405[0] : f32 from vector<1xf32>
      %eq3A_407 = arith.cmpi eq, %squeeze3A_402, %squeeze3A_345 : i32
      %get3A_408 = arith.index_cast %squeeze3A_404 : i32 to index
      %get3A_409 = arith.constant 0 : index
      %get3A_410 = tpu.vector_load %arg7[%get3A_408, %get3A_409] {strides = array<i32>} : memref<384x80xf32, #tpu.memory_space<vmem>>, vector<16xf32>,
      %mul3A_411 = vector.broadcast %squeeze3A_406 : f32 to vector<16xf32>
      %mul3A_412 = arith.mulf %get3A_410, %mul3A_411 : vector<16xf32>
      %select_n3A_413 = arith.select %eq3A_407, %max3A_357, %broadcast_in_dim3A_7 : vector<16xf32>
      %max3A_414 = arith.maximumf %mul3A_412, %select_n3A_413 : vector<16xf32>
      %get3A_415 = arith.index_cast %squeeze3A_404 : i32 to index
      %get3A_416 = arith.constant 16 : index
      %get3A_417 = tpu.vector_load %arg7[%get3A_415, %get3A_416] {strides = array<i32>} : memref<384x80xf32, #tpu.memory_space<vmem>>, vector<16xf32>,
      %mul3A_418 = vector.broadcast %squeeze3A_406 : f32 to vector<16xf32>
      %mul3A_419 = arith.mulf %get3A_417, %mul3A_418 : vector<16xf32>
      %select_n3A_420 = arith.select %eq3A_407, %max3A_364, %broadcast_in_dim3A_7 : vector<16xf32>
      %max3A_421 = arith.maximumf %mul3A_419, %select_n3A_420 : vector<16xf32>
      %get3A_422 = arith.index_cast %squeeze3A_404 : i32 to index
      %get3A_423 = arith.constant 32 : index
      %get3A_424 = tpu.vector_load %arg7[%get3A_422, %get3A_423] {strides = array<i32>} : memref<384x80xf32, #tpu.memory_space<vmem>>, vector<16xf32>,
      %mul3A_425 = vector.broadcast %squeeze3A_406 : f32 to vector<16xf32>
      %mul3A_426 = arith.mulf %get3A_424, %mul3A_425 : vector<16xf32>
      %select_n3A_427 = arith.select %eq3A_407, %max3A_371, %broadcast_in_dim3A_7 : vector<16xf32>
      %max3A_428 = arith.maximumf %mul3A_426, %select_n3A_427 : vector<16xf32>
      %get3A_429 = arith.index_cast %squeeze3A_404 : i32 to index
      %get3A_430 = arith.constant 48 : index
      %get3A_431 = tpu.vector_load %arg7[%get3A_429, %get3A_430] {strides = array<i32>} : memref<384x80xf32, #tpu.memory_space<vmem>>, vector<16xf32>,
      %mul3A_432 = vector.broadcast %squeeze3A_406 : f32 to vector<16xf32>
      %mul3A_433 = arith.mulf %get3A_431, %mul3A_432 : vector<16xf32>
      %select_n3A_434 = arith.select %eq3A_407, %max3A_378, %broadcast_in_dim3A_7 : vector<16xf32>
      %max3A_435 = arith.maximumf %mul3A_433, %select_n3A_434 : vector<16xf32>
      %get3A_436 = arith.index_cast %squeeze3A_404 : i32 to index
      %get3A_437 = arith.constant 64 : index
      %get3A_438 = tpu.vector_load %arg7[%get3A_436, %get3A_437] {strides = array<i32>} : memref<384x80xf32, #tpu.memory_space<vmem>>, vector<16xf32>,
      %mul3A_439 = vector.broadcast %squeeze3A_406 : f32 to vector<16xf32>
      %mul3A_440 = arith.mulf %get3A_438, %mul3A_439 : vector<16xf32>
      %select_n3A_441 = arith.select %eq3A_407, %max3A_385, %broadcast_in_dim3A_7 : vector<16xf32>
      %max3A_442 = arith.maximumf %mul3A_440, %select_n3A_441 : vector<16xf32>
      %swap3A_443 = arith.index_cast %squeeze3A_402 : i32 to index
      %swap3A_444 = arith.constant 0 : index
      %swap3A_445 = tpu.vector_load %arg8[%swap3A_443, %swap3A_444] {strides = array<i32>} : memref<384x80xf32, #tpu.memory_space<vmem>>, vector<16xf32>,
      tpu.vector_store %arg8[%swap3A_443, %swap3A_444], %max3A_414 {strides = array<i32>} : memref<384x80xf32, #tpu.memory_space<vmem>>, vector<16xf32>,
      %swap3A_446 = arith.index_cast %squeeze3A_402 : i32 to index
      %swap3A_447 = arith.constant 16 : index
      %swap3A_448 = tpu.vector_load %arg8[%swap3A_446, %swap3A_447] {strides = array<i32>} : memref<384x80xf32, #tpu.memory_space<vmem>>, vector<16xf32>,
      tpu.vector_store %arg8[%swap3A_446, %swap3A_447], %max3A_421 {strides = array<i32>} : memref<384x80xf32, #tpu.memory_space<vmem>>, vector<16xf32>,
      %swap3A_449 = arith.index_cast %squeeze3A_402 : i32 to index
      %swap3A_450 = arith.constant 32 : index
      %swap3A_451 = tpu.vector_load %arg8[%swap3A_449, %swap3A_450] {strides = array<i32>} : memref<384x80xf32, #tpu.memory_space<vmem>>, vector<16xf32>,
      tpu.vector_store %arg8[%swap3A_449, %swap3A_450], %max3A_428 {strides = array<i32>} : memref<384x80xf32, #tpu.memory_space<vmem>>, vector<16xf32>,
      %swap3A_452 = arith.index_cast %squeeze3A_402 : i32 to index
      %swap3A_453 = arith.constant 48 : index
      %swap3A_454 = tpu.vector_load %arg8[%swap3A_452, %swap3A_453] {strides = array<i32>} : memref<384x80xf32, #tpu.memory_space<vmem>>, vector<16xf32>,
      tpu.vector_store %arg8[%swap3A_452, %swap3A_453], %max3A_435 {strides = array<i32>} : memref<384x80xf32, #tpu.memory_space<vmem>>, vector<16xf32>,
      %swap3A_455 = arith.index_cast %squeeze3A_402 : i32 to index
      %swap3A_456 = arith.constant 64 : index
      %swap3A_457 = tpu.vector_load %arg8[%swap3A_455, %swap3A_456] {strides = array<i32>} : memref<384x80xf32, #tpu.memory_space<vmem>>, vector<16xf32>,
      tpu.vector_store %arg8[%swap3A_455, %swap3A_456], %max3A_442 {strides = array<i32>} : memref<384x80xf32, #tpu.memory_space<vmem>>, vector<16xf32>,
      %slice3A_458 = vector.extract_strided_slice %get3A_60 {offsets = [7], sizes = [1], strides = [1]} : vector<16xi32> to vector<1xi32>
      %squeeze3A_459 = vector.extract %slice3A_458[0] : i32 from vector<1xi32>
      %slice3A_460 = vector.extract_strided_slice %get3A_62 {offsets = [7], sizes = [1], strides = [1]} : vector<16xi32> to vector<1xi32>
      %squeeze3A_461 = vector.extract %slice3A_460[0] : i32 from vector<1xi32>
      %slice3A_462 = vector.extract_strided_slice %get3A_64 {offsets = [7], sizes = [1], strides = [1]} : vector<16xf32> to vector<1xf32>
      %squeeze3A_463 = vector.extract %slice3A_462[0] : f32 from vector<1xf32>
      %eq3A_464 = arith.cmpi eq, %squeeze3A_459, %squeeze3A_402 : i32
      %get3A_465 = arith.index_cast %squeeze3A_461 : i32 to index
      %get3A_466 = arith.constant 0 : index
      %get3A_467 = tpu.vector_load %arg7[%get3A_465, %get3A_466] {strides = array<i32>} : memref<384x80xf32, #tpu.memory_space<vmem>>, vector<16xf32>,
      %mul3A_468 = vector.broadcast %squeeze3A_463 : f32 to vector<16xf32>
      %mul3A_469 = arith.mulf %get3A_467, %mul3A_468 : vector<16xf32>
      %select_n3A_470 = arith.select %eq3A_464, %max3A_414, %broadcast_in_dim3A_7 : vector<16xf32>
      %max3A_471 = arith.maximumf %mul3A_469, %select_n3A_470 : vector<16xf32>
      %get3A_472 = arith.index_cast %squeeze3A_461 : i32 to index
      %get3A_473 = arith.constant 16 : index
      %get3A_474 = tpu.vector_load %arg7[%get3A_472, %get3A_473] {strides = array<i32>} : memref<384x80xf32, #tpu.memory_space<vmem>>, vector<16xf32>,
      %mul3A_475 = vector.broadcast %squeeze3A_463 : f32 to vector<16xf32>
      %mul3A_476 = arith.mulf %get3A_474, %mul3A_475 : vector<16xf32>
      %select_n3A_477 = arith.select %eq3A_464, %max3A_421, %broadcast_in_dim3A_7 : vector<16xf32>
      %max3A_478 = arith.maximumf %mul3A_476, %select_n3A_477 : vector<16xf32>
      %get3A_479 = arith.index_cast %squeeze3A_461 : i32 to index
      %get3A_480 = arith.constant 32 : index
      %get3A_481 = tpu.vector_load %arg7[%get3A_479, %get3A_480] {strides = array<i32>} : memref<384x80xf32, #tpu.memory_space<vmem>>, vector<16xf32>,
      %mul3A_482 = vector.broadcast %squeeze3A_463 : f32 to vector<16xf32>
      %mul3A_483 = arith.mulf %get3A_481, %mul3A_482 : vector<16xf32>
      %select_n3A_484 = arith.select %eq3A_464, %max3A_428, %broadcast_in_dim3A_7 : vector<16xf32>
      %max3A_485 = arith.maximumf %mul3A_483, %select_n3A_484 : vector<16xf32>
      %get3A_486 = arith.index_cast %squeeze3A_461 : i32 to index
      %get3A_487 = arith.constant 48 : index
      %get3A_488 = tpu.vector_load %arg7[%get3A_486, %get3A_487] {strides = array<i32>} : memref<384x80xf32, #tpu.memory_space<vmem>>, vector<16xf32>,
      %mul3A_489 = vector.broadcast %squeeze3A_463 : f32 to vector<16xf32>
      %mul3A_490 = arith.mulf %get3A_488, %mul3A_489 : vector<16xf32>
      %select_n3A_491 = arith.select %eq3A_464, %max3A_435, %broadcast_in_dim3A_7 : vector<16xf32>
      %max3A_492 = arith.maximumf %mul3A_490, %select_n3A_491 : vector<16xf32>
      %get3A_493 = arith.index_cast %squeeze3A_461 : i32 to index
      %get3A_494 = arith.constant 64 : index
      %get3A_495 = tpu.vector_load %arg7[%get3A_493, %get3A_494] {strides = array<i32>} : memref<384x80xf32, #tpu.memory_space<vmem>>, vector<16xf32>,
      %mul3A_496 = vector.broadcast %squeeze3A_463 : f32 to vector<16xf32>
      %mul3A_497 = arith.mulf %get3A_495, %mul3A_496 : vector<16xf32>
      %select_n3A_498 = arith.select %eq3A_464, %max3A_442, %broadcast_in_dim3A_7 : vector<16xf32>
      %max3A_499 = arith.maximumf %mul3A_497, %select_n3A_498 : vector<16xf32>
      %swap3A_500 = arith.index_cast %squeeze3A_459 : i32 to index
      %swap3A_501 = arith.constant 0 : index
      %swap3A_502 = tpu.vector_load %arg8[%swap3A_500, %swap3A_501] {strides = array<i32>} : memref<384x80xf32, #tpu.memory_space<vmem>>, vector<16xf32>,
      tpu.vector_store %arg8[%swap3A_500, %swap3A_501], %max3A_471 {strides = array<i32>} : memref<384x80xf32, #tpu.memory_space<vmem>>, vector<16xf32>,
      %swap3A_503 = arith.index_cast %squeeze3A_459 : i32 to index
      %swap3A_504 = arith.constant 16 : index
      %swap3A_505 = tpu.vector_load %arg8[%swap3A_503, %swap3A_504] {strides = array<i32>} : memref<384x80xf32, #tpu.memory_space<vmem>>, vector<16xf32>,
      tpu.vector_store %arg8[%swap3A_503, %swap3A_504], %max3A_478 {strides = array<i32>} : memref<384x80xf32, #tpu.memory_space<vmem>>, vector<16xf32>,
      %swap3A_506 = arith.index_cast %squeeze3A_459 : i32 to index
      %swap3A_507 = arith.constant 32 : index
      %swap3A_508 = tpu.vector_load %arg8[%swap3A_506, %swap3A_507] {strides = array<i32>} : memref<384x80xf32, #tpu.memory_space<vmem>>, vector<16xf32>,
      tpu.vector_store %arg8[%swap3A_506, %swap3A_507], %max3A_485 {strides = array<i32>} : memref<384x80xf32, #tpu.memory_space<vmem>>, vector<16xf32>,
      %swap3A_509 = arith.index_cast %squeeze3A_459 : i32 to index
      %swap3A_510 = arith.constant 48 : index
      %swap3A_511 = tpu.vector_load %arg8[%swap3A_509, %swap3A_510] {strides = array<i32>} : memref<384x80xf32, #tpu.memory_space<vmem>>, vector<16xf32>,
      tpu.vector_store %arg8[%swap3A_509, %swap3A_510], %max3A_492 {strides = array<i32>} : memref<384x80xf32, #tpu.memory_space<vmem>>, vector<16xf32>,
      %swap3A_512 = arith.index_cast %squeeze3A_459 : i32 to index
      %swap3A_513 = arith.constant 64 : index
      %swap3A_514 = tpu.vector_load %arg8[%swap3A_512, %swap3A_513] {strides = array<i32>} : memref<384x80xf32, #tpu.memory_space<vmem>>, vector<16xf32>,
      tpu.vector_store %arg8[%swap3A_512, %swap3A_513], %max3A_499 {strides = array<i32>} : memref<384x80xf32, #tpu.memory_space<vmem>>, vector<16xf32>,
      %slice3A_515 = vector.extract_strided_slice %get3A_60 {offsets = [8], sizes = [1], strides = [1]} : vector<16xi32> to vector<1xi32>
      %squeeze3A_516 = vector.extract %slice3A_515[0] : i32 from vector<1xi32>
      %slice3A_517 = vector.extract_strided_slice %get3A_62 {offsets = [8], sizes = [1], strides = [1]} : vector<16xi32> to vector<1xi32>
      %squeeze3A_518 = vector.extract %slice3A_517[0] : i32 from vector<1xi32>
      %slice3A_519 = vector.extract_strided_slice %get3A_64 {offsets = [8], sizes = [1], strides = [1]} : vector<16xf32> to vector<1xf32>
      %squeeze3A_520 = vector.extract %slice3A_519[0] : f32 from vector<1xf32>
      %eq3A_521 = arith.cmpi eq, %squeeze3A_516, %squeeze3A_459 : i32
      %get3A_522 = arith.index_cast %squeeze3A_518 : i32 to index
      %get3A_523 = arith.constant 0 : index
      %get3A_524 = tpu.vector_load %arg7[%get3A_522, %get3A_523] {strides = array<i32>} : memref<384x80xf32, #tpu.memory_space<vmem>>, vector<16xf32>,
      %mul3A_525 = vector.broadcast %squeeze3A_520 : f32 to vector<16xf32>
      %mul3A_526 = arith.mulf %get3A_524, %mul3A_525 : vector<16xf32>
      %select_n3A_527 = arith.select %eq3A_521, %max3A_471, %broadcast_in_dim3A_7 : vector<16xf32>
      %max3A_528 = arith.maximumf %mul3A_526, %select_n3A_527 : vector<16xf32>
      %get3A_529 = arith.index_cast %squeeze3A_518 : i32 to index
      %get3A_530 = arith.constant 16 : index
      %get3A_531 = tpu.vector_load %arg7[%get3A_529, %get3A_530] {strides = array<i32>} : memref<384x80xf32, #tpu.memory_space<vmem>>, vector<16xf32>,
      %mul3A_532 = vector.broadcast %squeeze3A_520 : f32 to vector<16xf32>
      %mul3A_533 = arith.mulf %get3A_531, %mul3A_532 : vector<16xf32>
      %select_n3A_534 = arith.select %eq3A_521, %max3A_478, %broadcast_in_dim3A_7 : vector<16xf32>
      %max3A_535 = arith.maximumf %mul3A_533, %select_n3A_534 : vector<16xf32>
      %get3A_536 = arith.index_cast %squeeze3A_518 : i32 to index
      %get3A_537 = arith.constant 32 : index
      %get3A_538 = tpu.vector_load %arg7[%get3A_536, %get3A_537] {strides = array<i32>} : memref<384x80xf32, #tpu.memory_space<vmem>>, vector<16xf32>,
      %mul3A_539 = vector.broadcast %squeeze3A_520 : f32 to vector<16xf32>
      %mul3A_540 = arith.mulf %get3A_538, %mul3A_539 : vector<16xf32>
      %select_n3A_541 = arith.select %eq3A_521, %max3A_485, %broadcast_in_dim3A_7 : vector<16xf32>
      %max3A_542 = arith.maximumf %mul3A_540, %select_n3A_541 : vector<16xf32>
      %get3A_543 = arith.index_cast %squeeze3A_518 : i32 to index
      %get3A_544 = arith.constant 48 : index
      %get3A_545 = tpu.vector_load %arg7[%get3A_543, %get3A_544] {strides = array<i32>} : memref<384x80xf32, #tpu.memory_space<vmem>>, vector<16xf32>,
      %mul3A_546 = vector.broadcast %squeeze3A_520 : f32 to vector<16xf32>
      %mul3A_547 = arith.mulf %get3A_545, %mul3A_546 : vector<16xf32>
      %select_n3A_548 = arith.select %eq3A_521, %max3A_492, %broadcast_in_dim3A_7 : vector<16xf32>
      %max3A_549 = arith.maximumf %mul3A_547, %select_n3A_548 : vector<16xf32>
      %get3A_550 = arith.index_cast %squeeze3A_518 : i32 to index
      %get3A_551 = arith.constant 64 : index
      %get3A_552 = tpu.vector_load %arg7[%get3A_550, %get3A_551] {strides = array<i32>} : memref<384x80xf32, #tpu.memory_space<vmem>>, vector<16xf32>,
      %mul3A_553 = vector.broadcast %squeeze3A_520 : f32 to vector<16xf32>
      %mul3A_554 = arith.mulf %get3A_552, %mul3A_553 : vector<16xf32>
      %select_n3A_555 = arith.select %eq3A_521, %max3A_499, %broadcast_in_dim3A_7 : vector<16xf32>
      %max3A_556 = arith.maximumf %mul3A_554, %select_n3A_555 : vector<16xf32>
      %swap3A_557 = arith.index_cast %squeeze3A_516 : i32 to index
      %swap3A_558 = arith.constant 0 : index
      %swap3A_559 = tpu.vector_load %arg8[%swap3A_557, %swap3A_558] {strides = array<i32>} : memref<384x80xf32, #tpu.memory_space<vmem>>, vector<16xf32>,
      tpu.vector_store %arg8[%swap3A_557, %swap3A_558], %max3A_528 {strides = array<i32>} : memref<384x80xf32, #tpu.memory_space<vmem>>, vector<16xf32>,
      %swap3A_560 = arith.index_cast %squeeze3A_516 : i32 to index
      %swap3A_561 = arith.constant 16 : index
      %swap3A_562 = tpu.vector_load %arg8[%swap3A_560, %swap3A_561] {strides = array<i32>} : memref<384x80xf32, #tpu.memory_space<vmem>>, vector<16xf32>,
      tpu.vector_store %arg8[%swap3A_560, %swap3A_561], %max3A_535 {strides = array<i32>} : memref<384x80xf32, #tpu.memory_space<vmem>>, vector<16xf32>,
      %swap3A_563 = arith.index_cast %squeeze3A_516 : i32 to index
      %swap3A_564 = arith.constant 32 : index
      %swap3A_565 = tpu.vector_load %arg8[%swap3A_563, %swap3A_564] {strides = array<i32>} : memref<384x80xf32, #tpu.memory_space<vmem>>, vector<16xf32>,
      tpu.vector_store %arg8[%swap3A_563, %swap3A_564], %max3A_542 {strides = array<i32>} : memref<384x80xf32, #tpu.memory_space<vmem>>, vector<16xf32>,
      %swap3A_566 = arith.index_cast %squeeze3A_516 : i32 to index
      %swap3A_567 = arith.constant 48 : index
      %swap3A_568 = tpu.vector_load %arg8[%swap3A_566, %swap3A_567] {strides = array<i32>} : memref<384x80xf32, #tpu.memory_space<vmem>>, vector<16xf32>,
      tpu.vector_store %arg8[%swap3A_566, %swap3A_567], %max3A_549 {strides = array<i32>} : memref<384x80xf32, #tpu.memory_space<vmem>>, vector<16xf32>,
      %swap3A_569 = arith.index_cast %squeeze3A_516 : i32 to index
      %swap3A_570 = arith.constant 64 : index
      %swap3A_571 = tpu.vector_load %arg8[%swap3A_569, %swap3A_570] {strides = array<i32>} : memref<384x80xf32, #tpu.memory_space<vmem>>, vector<16xf32>,
      tpu.vector_store %arg8[%swap3A_569, %swap3A_570], %max3A_556 {strides = array<i32>} : memref<384x80xf32, #tpu.memory_space<vmem>>, vector<16xf32>,
      %slice3A_572 = vector.extract_strided_slice %get3A_60 {offsets = [9], sizes = [1], strides = [1]} : vector<16xi32> to vector<1xi32>
      %squeeze3A_573 = vector.extract %slice3A_572[0] : i32 from vector<1xi32>
      %slice3A_574 = vector.extract_strided_slice %get3A_62 {offsets = [9], sizes = [1], strides = [1]} : vector<16xi32> to vector<1xi32>
      %squeeze3A_575 = vector.extract %slice3A_574[0] : i32 from vector<1xi32>
      %slice3A_576 = vector.extract_strided_slice %get3A_64 {offsets = [9], sizes = [1], strides = [1]} : vector<16xf32> to vector<1xf32>
      %squeeze3A_577 = vector.extract %slice3A_576[0] : f32 from vector<1xf32>
      %eq3A_578 = arith.cmpi eq, %squeeze3A_573, %squeeze3A_516 : i32
      %get3A_579 = arith.index_cast %squeeze3A_575 : i32 to index
      %get3A_580 = arith.constant 0 : index
      %get3A_581 = tpu.vector_load %arg7[%get3A_579, %get3A_580] {strides = array<i32>} : memref<384x80xf32, #tpu.memory_space<vmem>>, vector<16xf32>,
      %mul3A_582 = vector.broadcast %squeeze3A_577 : f32 to vector<16xf32>
      %mul3A_583 = arith.mulf %get3A_581, %mul3A_582 : vector<16xf32>
      %select_n3A_584 = arith.select %eq3A_578, %max3A_528, %broadcast_in_dim3A_7 : vector<16xf32>
      %max3A_585 = arith.maximumf %mul3A_583, %select_n3A_584 : vector<16xf32>
      %get3A_586 = arith.index_cast %squeeze3A_575 : i32 to index
      %get3A_587 = arith.constant 16 : index
      %get3A_588 = tpu.vector_load %arg7[%get3A_586, %get3A_587] {strides = array<i32>} : memref<384x80xf32, #tpu.memory_space<vmem>>, vector<16xf32>,
      %mul3A_589 = vector.broadcast %squeeze3A_577 : f32 to vector<16xf32>
      %mul3A_590 = arith.mulf %get3A_588, %mul3A_589 : vector<16xf32>
      %select_n3A_591 = arith.select %eq3A_578, %max3A_535, %broadcast_in_dim3A_7 : vector<16xf32>
      %max3A_592 = arith.maximumf %mul3A_590, %select_n3A_591 : vector<16xf32>
      %get3A_593 = arith.index_cast %squeeze3A_575 : i32 to index
      %get3A_594 = arith.constant 32 : index
      %get3A_595 = tpu.vector_load %arg7[%get3A_593, %get3A_594] {strides = array<i32>} : memref<384x80xf32, #tpu.memory_space<vmem>>, vector<16xf32>,
      %mul3A_596 = vector.broadcast %squeeze3A_577 : f32 to vector<16xf32>
      %mul3A_597 = arith.mulf %get3A_595, %mul3A_596 : vector<16xf32>
      %select_n3A_598 = arith.select %eq3A_578, %max3A_542, %broadcast_in_dim3A_7 : vector<16xf32>
      %max3A_599 = arith.maximumf %mul3A_597, %select_n3A_598 : vector<16xf32>
      %get3A_600 = arith.index_cast %squeeze3A_575 : i32 to index
      %get3A_601 = arith.constant 48 : index
      %get3A_602 = tpu.vector_load %arg7[%get3A_600, %get3A_601] {strides = array<i32>} : memref<384x80xf32, #tpu.memory_space<vmem>>, vector<16xf32>,
      %mul3A_603 = vector.broadcast %squeeze3A_577 : f32 to vector<16xf32>
      %mul3A_604 = arith.mulf %get3A_602, %mul3A_603 : vector<16xf32>
      %select_n3A_605 = arith.select %eq3A_578, %max3A_549, %broadcast_in_dim3A_7 : vector<16xf32>
      %max3A_606 = arith.maximumf %mul3A_604, %select_n3A_605 : vector<16xf32>
      %get3A_607 = arith.index_cast %squeeze3A_575 : i32 to index
      %get3A_608 = arith.constant 64 : index
      %get3A_609 = tpu.vector_load %arg7[%get3A_607, %get3A_608] {strides = array<i32>} : memref<384x80xf32, #tpu.memory_space<vmem>>, vector<16xf32>,
      %mul3A_610 = vector.broadcast %squeeze3A_577 : f32 to vector<16xf32>
      %mul3A_611 = arith.mulf %get3A_609, %mul3A_610 : vector<16xf32>
      %select_n3A_612 = arith.select %eq3A_578, %max3A_556, %broadcast_in_dim3A_7 : vector<16xf32>
      %max3A_613 = arith.maximumf %mul3A_611, %select_n3A_612 : vector<16xf32>
      %swap3A_614 = arith.index_cast %squeeze3A_573 : i32 to index
      %swap3A_615 = arith.constant 0 : index
      %swap3A_616 = tpu.vector_load %arg8[%swap3A_614, %swap3A_615] {strides = array<i32>} : memref<384x80xf32, #tpu.memory_space<vmem>>, vector<16xf32>,
      tpu.vector_store %arg8[%swap3A_614, %swap3A_615], %max3A_585 {strides = array<i32>} : memref<384x80xf32, #tpu.memory_space<vmem>>, vector<16xf32>,
      %swap3A_617 = arith.index_cast %squeeze3A_573 : i32 to index
      %swap3A_618 = arith.constant 16 : index
      %swap3A_619 = tpu.vector_load %arg8[%swap3A_617, %swap3A_618] {strides = array<i32>} : memref<384x80xf32, #tpu.memory_space<vmem>>, vector<16xf32>,
      tpu.vector_store %arg8[%swap3A_617, %swap3A_618], %max3A_592 {strides = array<i32>} : memref<384x80xf32, #tpu.memory_space<vmem>>, vector<16xf32>,
      %swap3A_620 = arith.index_cast %squeeze3A_573 : i32 to index
      %swap3A_621 = arith.constant 32 : index
      %swap3A_622 = tpu.vector_load %arg8[%swap3A_620, %swap3A_621] {strides = array<i32>} : memref<384x80xf32, #tpu.memory_space<vmem>>, vector<16xf32>,
      tpu.vector_store %arg8[%swap3A_620, %swap3A_621], %max3A_599 {strides = array<i32>} : memref<384x80xf32, #tpu.memory_space<vmem>>, vector<16xf32>,
      %swap3A_623 = arith.index_cast %squeeze3A_573 : i32 to index
      %swap3A_624 = arith.constant 48 : index
      %swap3A_625 = tpu.vector_load %arg8[%swap3A_623, %swap3A_624] {strides = array<i32>} : memref<384x80xf32, #tpu.memory_space<vmem>>, vector<16xf32>,
      tpu.vector_store %arg8[%swap3A_623, %swap3A_624], %max3A_606 {strides = array<i32>} : memref<384x80xf32, #tpu.memory_space<vmem>>, vector<16xf32>,
      %swap3A_626 = arith.index_cast %squeeze3A_573 : i32 to index
      %swap3A_627 = arith.constant 64 : index
      %swap3A_628 = tpu.vector_load %arg8[%swap3A_626, %swap3A_627] {strides = array<i32>} : memref<384x80xf32, #tpu.memory_space<vmem>>, vector<16xf32>,
      tpu.vector_store %arg8[%swap3A_626, %swap3A_627], %max3A_613 {strides = array<i32>} : memref<384x80xf32, #tpu.memory_space<vmem>>, vector<16xf32>,
      %slice3A_629 = vector.extract_strided_slice %get3A_60 {offsets = [10], sizes = [1], strides = [1]} : vector<16xi32> to vector<1xi32>
      %squeeze3A_630 = vector.extract %slice3A_629[0] : i32 from vector<1xi32>
      %slice3A_631 = vector.extract_strided_slice %get3A_62 {offsets = [10], sizes = [1], strides = [1]} : vector<16xi32> to vector<1xi32>
      %squeeze3A_632 = vector.extract %slice3A_631[0] : i32 from vector<1xi32>
      %slice3A_633 = vector.extract_strided_slice %get3A_64 {offsets = [10], sizes = [1], strides = [1]} : vector<16xf32> to vector<1xf32>
      %squeeze3A_634 = vector.extract %slice3A_633[0] : f32 from vector<1xf32>
      %eq3A_635 = arith.cmpi eq, %squeeze3A_630, %squeeze3A_573 : i32
      %get3A_636 = arith.index_cast %squeeze3A_632 : i32 to index
      %get3A_637 = arith.constant 0 : index
      %get3A_638 = tpu.vector_load %arg7[%get3A_636, %get3A_637] {strides = array<i32>} : memref<384x80xf32, #tpu.memory_space<vmem>>, vector<16xf32>,
      %mul3A_639 = vector.broadcast %squeeze3A_634 : f32 to vector<16xf32>
      %mul3A_640 = arith.mulf %get3A_638, %mul3A_639 : vector<16xf32>
      %select_n3A_641 = arith.select %eq3A_635, %max3A_585, %broadcast_in_dim3A_7 : vector<16xf32>
      %max3A_642 = arith.maximumf %mul3A_640, %select_n3A_641 : vector<16xf32>
      %get3A_643 = arith.index_cast %squeeze3A_632 : i32 to index
      %get3A_644 = arith.constant 16 : index
      %get3A_645 = tpu.vector_load %arg7[%get3A_643, %get3A_644] {strides = array<i32>} : memref<384x80xf32, #tpu.memory_space<vmem>>, vector<16xf32>,
      %mul3A_646 = vector.broadcast %squeeze3A_634 : f32 to vector<16xf32>
      %mul3A_647 = arith.mulf %get3A_645, %mul3A_646 : vector<16xf32>
      %select_n3A_648 = arith.select %eq3A_635, %max3A_592, %broadcast_in_dim3A_7 : vector<16xf32>
      %max3A_649 = arith.maximumf %mul3A_647, %select_n3A_648 : vector<16xf32>
      %get3A_650 = arith.index_cast %squeeze3A_632 : i32 to index
      %get3A_651 = arith.constant 32 : index
      %get3A_652 = tpu.vector_load %arg7[%get3A_650, %get3A_651] {strides = array<i32>} : memref<384x80xf32, #tpu.memory_space<vmem>>, vector<16xf32>,
      %mul3A_653 = vector.broadcast %squeeze3A_634 : f32 to vector<16xf32>
      %mul3A_654 = arith.mulf %get3A_652, %mul3A_653 : vector<16xf32>
      %select_n3A_655 = arith.select %eq3A_635, %max3A_599, %broadcast_in_dim3A_7 : vector<16xf32>
      %max3A_656 = arith.maximumf %mul3A_654, %select_n3A_655 : vector<16xf32>
      %get3A_657 = arith.index_cast %squeeze3A_632 : i32 to index
      %get3A_658 = arith.constant 48 : index
      %get3A_659 = tpu.vector_load %arg7[%get3A_657, %get3A_658] {strides = array<i32>} : memref<384x80xf32, #tpu.memory_space<vmem>>, vector<16xf32>,
      %mul3A_660 = vector.broadcast %squeeze3A_634 : f32 to vector<16xf32>
      %mul3A_661 = arith.mulf %get3A_659, %mul3A_660 : vector<16xf32>
      %select_n3A_662 = arith.select %eq3A_635, %max3A_606, %broadcast_in_dim3A_7 : vector<16xf32>
      %max3A_663 = arith.maximumf %mul3A_661, %select_n3A_662 : vector<16xf32>
      %get3A_664 = arith.index_cast %squeeze3A_632 : i32 to index
      %get3A_665 = arith.constant 64 : index
      %get3A_666 = tpu.vector_load %arg7[%get3A_664, %get3A_665] {strides = array<i32>} : memref<384x80xf32, #tpu.memory_space<vmem>>, vector<16xf32>,
      %mul3A_667 = vector.broadcast %squeeze3A_634 : f32 to vector<16xf32>
      %mul3A_668 = arith.mulf %get3A_666, %mul3A_667 : vector<16xf32>
      %select_n3A_669 = arith.select %eq3A_635, %max3A_613, %broadcast_in_dim3A_7 : vector<16xf32>
      %max3A_670 = arith.maximumf %mul3A_668, %select_n3A_669 : vector<16xf32>
      %swap3A_671 = arith.index_cast %squeeze3A_630 : i32 to index
      %swap3A_672 = arith.constant 0 : index
      %swap3A_673 = tpu.vector_load %arg8[%swap3A_671, %swap3A_672] {strides = array<i32>} : memref<384x80xf32, #tpu.memory_space<vmem>>, vector<16xf32>,
      tpu.vector_store %arg8[%swap3A_671, %swap3A_672], %max3A_642 {strides = array<i32>} : memref<384x80xf32, #tpu.memory_space<vmem>>, vector<16xf32>,
      %swap3A_674 = arith.index_cast %squeeze3A_630 : i32 to index
      %swap3A_675 = arith.constant 16 : index
      %swap3A_676 = tpu.vector_load %arg8[%swap3A_674, %swap3A_675] {strides = array<i32>} : memref<384x80xf32, #tpu.memory_space<vmem>>, vector<16xf32>,
      tpu.vector_store %arg8[%swap3A_674, %swap3A_675], %max3A_649 {strides = array<i32>} : memref<384x80xf32, #tpu.memory_space<vmem>>, vector<16xf32>,
      %swap3A_677 = arith.index_cast %squeeze3A_630 : i32 to index
      %swap3A_678 = arith.constant 32 : index
      %swap3A_679 = tpu.vector_load %arg8[%swap3A_677, %swap3A_678] {strides = array<i32>} : memref<384x80xf32, #tpu.memory_space<vmem>>, vector<16xf32>,
      tpu.vector_store %arg8[%swap3A_677, %swap3A_678], %max3A_656 {strides = array<i32>} : memref<384x80xf32, #tpu.memory_space<vmem>>, vector<16xf32>,
      %swap3A_680 = arith.index_cast %squeeze3A_630 : i32 to index
      %swap3A_681 = arith.constant 48 : index
      %swap3A_682 = tpu.vector_load %arg8[%swap3A_680, %swap3A_681] {strides = array<i32>} : memref<384x80xf32, #tpu.memory_space<vmem>>, vector<16xf32>,
      tpu.vector_store %arg8[%swap3A_680, %swap3A_681], %max3A_663 {strides = array<i32>} : memref<384x80xf32, #tpu.memory_space<vmem>>, vector<16xf32>,
      %swap3A_683 = arith.index_cast %squeeze3A_630 : i32 to index
      %swap3A_684 = arith.constant 64 : index
      %swap3A_685 = tpu.vector_load %arg8[%swap3A_683, %swap3A_684] {strides = array<i32>} : memref<384x80xf32, #tpu.memory_space<vmem>>, vector<16xf32>,
      tpu.vector_store %arg8[%swap3A_683, %swap3A_684], %max3A_670 {strides = array<i32>} : memref<384x80xf32, #tpu.memory_space<vmem>>, vector<16xf32>,
      %slice3A_686 = vector.extract_strided_slice %get3A_60 {offsets = [11], sizes = [1], strides = [1]} : vector<16xi32> to vector<1xi32>
      %squeeze3A_687 = vector.extract %slice3A_686[0] : i32 from vector<1xi32>
      %slice3A_688 = vector.extract_strided_slice %get3A_62 {offsets = [11], sizes = [1], strides = [1]} : vector<16xi32> to vector<1xi32>
      %squeeze3A_689 = vector.extract %slice3A_688[0] : i32 from vector<1xi32>
      %slice3A_690 = vector.extract_strided_slice %get3A_64 {offsets = [11], sizes = [1], strides = [1]} : vector<16xf32> to vector<1xf32>
      %squeeze3A_691 = vector.extract %slice3A_690[0] : f32 from vector<1xf32>
      %eq3A_692 = arith.cmpi eq, %squeeze3A_687, %squeeze3A_630 : i32
      %get3A_693 = arith.index_cast %squeeze3A_689 : i32 to index
      %get3A_694 = arith.constant 0 : index
      %get3A_695 = tpu.vector_load %arg7[%get3A_693, %get3A_694] {strides = array<i32>} : memref<384x80xf32, #tpu.memory_space<vmem>>, vector<16xf32>,
      %mul3A_696 = vector.broadcast %squeeze3A_691 : f32 to vector<16xf32>
      %mul3A_697 = arith.mulf %get3A_695, %mul3A_696 : vector<16xf32>
      %select_n3A_698 = arith.select %eq3A_692, %max3A_642, %broadcast_in_dim3A_7 : vector<16xf32>
      %max3A_699 = arith.maximumf %mul3A_697, %select_n3A_698 : vector<16xf32>
      %get3A_700 = arith.index_cast %squeeze3A_689 : i32 to index
      %get3A_701 = arith.constant 16 : index
      %get3A_702 = tpu.vector_load %arg7[%get3A_700, %get3A_701] {strides = array<i32>} : memref<384x80xf32, #tpu.memory_space<vmem>>, vector<16xf32>,
      %mul3A_703 = vector.broadcast %squeeze3A_691 : f32 to vector<16xf32>
      %mul3A_704 = arith.mulf %get3A_702, %mul3A_703 : vector<16xf32>
      %select_n3A_705 = arith.select %eq3A_692, %max3A_649, %broadcast_in_dim3A_7 : vector<16xf32>
      %max3A_706 = arith.maximumf %mul3A_704, %select_n3A_705 : vector<16xf32>
      %get3A_707 = arith.index_cast %squeeze3A_689 : i32 to index
      %get3A_708 = arith.constant 32 : index
      %get3A_709 = tpu.vector_load %arg7[%get3A_707, %get3A_708] {strides = array<i32>} : memref<384x80xf32, #tpu.memory_space<vmem>>, vector<16xf32>,
      %mul3A_710 = vector.broadcast %squeeze3A_691 : f32 to vector<16xf32>
      %mul3A_711 = arith.mulf %get3A_709, %mul3A_710 : vector<16xf32>
      %select_n3A_712 = arith.select %eq3A_692, %max3A_656, %broadcast_in_dim3A_7 : vector<16xf32>
      %max3A_713 = arith.maximumf %mul3A_711, %select_n3A_712 : vector<16xf32>
      %get3A_714 = arith.index_cast %squeeze3A_689 : i32 to index
      %get3A_715 = arith.constant 48 : index
      %get3A_716 = tpu.vector_load %arg7[%get3A_714, %get3A_715] {strides = array<i32>} : memref<384x80xf32, #tpu.memory_space<vmem>>, vector<16xf32>,
      %mul3A_717 = vector.broadcast %squeeze3A_691 : f32 to vector<16xf32>
      %mul3A_718 = arith.mulf %get3A_716, %mul3A_717 : vector<16xf32>
      %select_n3A_719 = arith.select %eq3A_692, %max3A_663, %broadcast_in_dim3A_7 : vector<16xf32>
      %max3A_720 = arith.maximumf %mul3A_718, %select_n3A_719 : vector<16xf32>
      %get3A_721 = arith.index_cast %squeeze3A_689 : i32 to index
      %get3A_722 = arith.constant 64 : index
      %get3A_723 = tpu.vector_load %arg7[%get3A_721, %get3A_722] {strides = array<i32>} : memref<384x80xf32, #tpu.memory_space<vmem>>, vector<16xf32>,
      %mul3A_724 = vector.broadcast %squeeze3A_691 : f32 to vector<16xf32>
      %mul3A_725 = arith.mulf %get3A_723, %mul3A_724 : vector<16xf32>
      %select_n3A_726 = arith.select %eq3A_692, %max3A_670, %broadcast_in_dim3A_7 : vector<16xf32>
      %max3A_727 = arith.maximumf %mul3A_725, %select_n3A_726 : vector<16xf32>
      %swap3A_728 = arith.index_cast %squeeze3A_687 : i32 to index
      %swap3A_729 = arith.constant 0 : index
      %swap3A_730 = tpu.vector_load %arg8[%swap3A_728, %swap3A_729] {strides = array<i32>} : memref<384x80xf32, #tpu.memory_space<vmem>>, vector<16xf32>,
      tpu.vector_store %arg8[%swap3A_728, %swap3A_729], %max3A_699 {strides = array<i32>} : memref<384x80xf32, #tpu.memory_space<vmem>>, vector<16xf32>,
      %swap3A_731 = arith.index_cast %squeeze3A_687 : i32 to index
      %swap3A_732 = arith.constant 16 : index
      %swap3A_733 = tpu.vector_load %arg8[%swap3A_731, %swap3A_732] {strides = array<i32>} : memref<384x80xf32, #tpu.memory_space<vmem>>, vector<16xf32>,
      tpu.vector_store %arg8[%swap3A_731, %swap3A_732], %max3A_706 {strides = array<i32>} : memref<384x80xf32, #tpu.memory_space<vmem>>, vector<16xf32>,
      %swap3A_734 = arith.index_cast %squeeze3A_687 : i32 to index
      %swap3A_735 = arith.constant 32 : index
      %swap3A_736 = tpu.vector_load %arg8[%swap3A_734, %swap3A_735] {strides = array<i32>} : memref<384x80xf32, #tpu.memory_space<vmem>>, vector<16xf32>,
      tpu.vector_store %arg8[%swap3A_734, %swap3A_735], %max3A_713 {strides = array<i32>} : memref<384x80xf32, #tpu.memory_space<vmem>>, vector<16xf32>,
      %swap3A_737 = arith.index_cast %squeeze3A_687 : i32 to index
      %swap3A_738 = arith.constant 48 : index
      %swap3A_739 = tpu.vector_load %arg8[%swap3A_737, %swap3A_738] {strides = array<i32>} : memref<384x80xf32, #tpu.memory_space<vmem>>, vector<16xf32>,
      tpu.vector_store %arg8[%swap3A_737, %swap3A_738], %max3A_720 {strides = array<i32>} : memref<384x80xf32, #tpu.memory_space<vmem>>, vector<16xf32>,
      %swap3A_740 = arith.index_cast %squeeze3A_687 : i32 to index
      %swap3A_741 = arith.constant 64 : index
      %swap3A_742 = tpu.vector_load %arg8[%swap3A_740, %swap3A_741] {strides = array<i32>} : memref<384x80xf32, #tpu.memory_space<vmem>>, vector<16xf32>,
      tpu.vector_store %arg8[%swap3A_740, %swap3A_741], %max3A_727 {strides = array<i32>} : memref<384x80xf32, #tpu.memory_space<vmem>>, vector<16xf32>,
      %slice3A_743 = vector.extract_strided_slice %get3A_60 {offsets = [12], sizes = [1], strides = [1]} : vector<16xi32> to vector<1xi32>
      %squeeze3A_744 = vector.extract %slice3A_743[0] : i32 from vector<1xi32>
      %slice3A_745 = vector.extract_strided_slice %get3A_62 {offsets = [12], sizes = [1], strides = [1]} : vector<16xi32> to vector<1xi32>
      %squeeze3A_746 = vector.extract %slice3A_745[0] : i32 from vector<1xi32>
      %slice3A_747 = vector.extract_strided_slice %get3A_64 {offsets = [12], sizes = [1], strides = [1]} : vector<16xf32> to vector<1xf32>
      %squeeze3A_748 = vector.extract %slice3A_747[0] : f32 from vector<1xf32>
      %eq3A_749 = arith.cmpi eq, %squeeze3A_744, %squeeze3A_687 : i32
      %get3A_750 = arith.index_cast %squeeze3A_746 : i32 to index
      %get3A_751 = arith.constant 0 : index
      %get3A_752 = tpu.vector_load %arg7[%get3A_750, %get3A_751] {strides = array<i32>} : memref<384x80xf32, #tpu.memory_space<vmem>>, vector<16xf32>,
      %mul3A_753 = vector.broadcast %squeeze3A_748 : f32 to vector<16xf32>
      %mul3A_754 = arith.mulf %get3A_752, %mul3A_753 : vector<16xf32>
      %select_n3A_755 = arith.select %eq3A_749, %max3A_699, %broadcast_in_dim3A_7 : vector<16xf32>
      %max3A_756 = arith.maximumf %mul3A_754, %select_n3A_755 : vector<16xf32>
      %get3A_757 = arith.index_cast %squeeze3A_746 : i32 to index
      %get3A_758 = arith.constant 16 : index
      %get3A_759 = tpu.vector_load %arg7[%get3A_757, %get3A_758] {strides = array<i32>} : memref<384x80xf32, #tpu.memory_space<vmem>>, vector<16xf32>,
      %mul3A_760 = vector.broadcast %squeeze3A_748 : f32 to vector<16xf32>
      %mul3A_761 = arith.mulf %get3A_759, %mul3A_760 : vector<16xf32>
      %select_n3A_762 = arith.select %eq3A_749, %max3A_706, %broadcast_in_dim3A_7 : vector<16xf32>
      %max3A_763 = arith.maximumf %mul3A_761, %select_n3A_762 : vector<16xf32>
      %get3A_764 = arith.index_cast %squeeze3A_746 : i32 to index
      %get3A_765 = arith.constant 32 : index
      %get3A_766 = tpu.vector_load %arg7[%get3A_764, %get3A_765] {strides = array<i32>} : memref<384x80xf32, #tpu.memory_space<vmem>>, vector<16xf32>,
      %mul3A_767 = vector.broadcast %squeeze3A_748 : f32 to vector<16xf32>
      %mul3A_768 = arith.mulf %get3A_766, %mul3A_767 : vector<16xf32>
      %select_n3A_769 = arith.select %eq3A_749, %max3A_713, %broadcast_in_dim3A_7 : vector<16xf32>
      %max3A_770 = arith.maximumf %mul3A_768, %select_n3A_769 : vector<16xf32>
      %get3A_771 = arith.index_cast %squeeze3A_746 : i32 to index
      %get3A_772 = arith.constant 48 : index
      %get3A_773 = tpu.vector_load %arg7[%get3A_771, %get3A_772] {strides = array<i32>} : memref<384x80xf32, #tpu.memory_space<vmem>>, vector<16xf32>,
      %mul3A_774 = vector.broadcast %squeeze3A_748 : f32 to vector<16xf32>
      %mul3A_775 = arith.mulf %get3A_773, %mul3A_774 : vector<16xf32>
      %select_n3A_776 = arith.select %eq3A_749, %max3A_720, %broadcast_in_dim3A_7 : vector<16xf32>
      %max3A_777 = arith.maximumf %mul3A_775, %select_n3A_776 : vector<16xf32>
      %get3A_778 = arith.index_cast %squeeze3A_746 : i32 to index
      %get3A_779 = arith.constant 64 : index
      %get3A_780 = tpu.vector_load %arg7[%get3A_778, %get3A_779] {strides = array<i32>} : memref<384x80xf32, #tpu.memory_space<vmem>>, vector<16xf32>,
      %mul3A_781 = vector.broadcast %squeeze3A_748 : f32 to vector<16xf32>
      %mul3A_782 = arith.mulf %get3A_780, %mul3A_781 : vector<16xf32>
      %select_n3A_783 = arith.select %eq3A_749, %max3A_727, %broadcast_in_dim3A_7 : vector<16xf32>
      %max3A_784 = arith.maximumf %mul3A_782, %select_n3A_783 : vector<16xf32>
      %swap3A_785 = arith.index_cast %squeeze3A_744 : i32 to index
      %swap3A_786 = arith.constant 0 : index
      %swap3A_787 = tpu.vector_load %arg8[%swap3A_785, %swap3A_786] {strides = array<i32>} : memref<384x80xf32, #tpu.memory_space<vmem>>, vector<16xf32>,
      tpu.vector_store %arg8[%swap3A_785, %swap3A_786], %max3A_756 {strides = array<i32>} : memref<384x80xf32, #tpu.memory_space<vmem>>, vector<16xf32>,
      %swap3A_788 = arith.index_cast %squeeze3A_744 : i32 to index
      %swap3A_789 = arith.constant 16 : index
      %swap3A_790 = tpu.vector_load %arg8[%swap3A_788, %swap3A_789] {strides = array<i32>} : memref<384x80xf32, #tpu.memory_space<vmem>>, vector<16xf32>,
      tpu.vector_store %arg8[%swap3A_788, %swap3A_789], %max3A_763 {strides = array<i32>} : memref<384x80xf32, #tpu.memory_space<vmem>>, vector<16xf32>,
      %swap3A_791 = arith.index_cast %squeeze3A_744 : i32 to index
      %swap3A_792 = arith.constant 32 : index
      %swap3A_793 = tpu.vector_load %arg8[%swap3A_791, %swap3A_792] {strides = array<i32>} : memref<384x80xf32, #tpu.memory_space<vmem>>, vector<16xf32>,
      tpu.vector_store %arg8[%swap3A_791, %swap3A_792], %max3A_770 {strides = array<i32>} : memref<384x80xf32, #tpu.memory_space<vmem>>, vector<16xf32>,
      %swap3A_794 = arith.index_cast %squeeze3A_744 : i32 to index
      %swap3A_795 = arith.constant 48 : index
      %swap3A_796 = tpu.vector_load %arg8[%swap3A_794, %swap3A_795] {strides = array<i32>} : memref<384x80xf32, #tpu.memory_space<vmem>>, vector<16xf32>,
      tpu.vector_store %arg8[%swap3A_794, %swap3A_795], %max3A_777 {strides = array<i32>} : memref<384x80xf32, #tpu.memory_space<vmem>>, vector<16xf32>,
      %swap3A_797 = arith.index_cast %squeeze3A_744 : i32 to index
      %swap3A_798 = arith.constant 64 : index
      %swap3A_799 = tpu.vector_load %arg8[%swap3A_797, %swap3A_798] {strides = array<i32>} : memref<384x80xf32, #tpu.memory_space<vmem>>, vector<16xf32>,
      tpu.vector_store %arg8[%swap3A_797, %swap3A_798], %max3A_784 {strides = array<i32>} : memref<384x80xf32, #tpu.memory_space<vmem>>, vector<16xf32>,
      %slice3A_800 = vector.extract_strided_slice %get3A_60 {offsets = [13], sizes = [1], strides = [1]} : vector<16xi32> to vector<1xi32>
      %squeeze3A_801 = vector.extract %slice3A_800[0] : i32 from vector<1xi32>
      %slice3A_802 = vector.extract_strided_slice %get3A_62 {offsets = [13], sizes = [1], strides = [1]} : vector<16xi32> to vector<1xi32>
      %squeeze3A_803 = vector.extract %slice3A_802[0] : i32 from vector<1xi32>
      %slice3A_804 = vector.extract_strided_slice %get3A_64 {offsets = [13], sizes = [1], strides = [1]} : vector<16xf32> to vector<1xf32>
      %squeeze3A_805 = vector.extract %slice3A_804[0] : f32 from vector<1xf32>
      %eq3A_806 = arith.cmpi eq, %squeeze3A_801, %squeeze3A_744 : i32
      %get3A_807 = arith.index_cast %squeeze3A_803 : i32 to index
      %get3A_808 = arith.constant 0 : index
      %get3A_809 = tpu.vector_load %arg7[%get3A_807, %get3A_808] {strides = array<i32>} : memref<384x80xf32, #tpu.memory_space<vmem>>, vector<16xf32>,
      %mul3A_810 = vector.broadcast %squeeze3A_805 : f32 to vector<16xf32>
      %mul3A_811 = arith.mulf %get3A_809, %mul3A_810 : vector<16xf32>
      %select_n3A_812 = arith.select %eq3A_806, %max3A_756, %broadcast_in_dim3A_7 : vector<16xf32>
      %max3A_813 = arith.maximumf %mul3A_811, %select_n3A_812 : vector<16xf32>
      %get3A_814 = arith.index_cast %squeeze3A_803 : i32 to index
      %get3A_815 = arith.constant 16 : index
      %get3A_816 = tpu.vector_load %arg7[%get3A_814, %get3A_815] {strides = array<i32>} : memref<384x80xf32, #tpu.memory_space<vmem>>, vector<16xf32>,
      %mul3A_817 = vector.broadcast %squeeze3A_805 : f32 to vector<16xf32>
      %mul3A_818 = arith.mulf %get3A_816, %mul3A_817 : vector<16xf32>
      %select_n3A_819 = arith.select %eq3A_806, %max3A_763, %broadcast_in_dim3A_7 : vector<16xf32>
      %max3A_820 = arith.maximumf %mul3A_818, %select_n3A_819 : vector<16xf32>
      %get3A_821 = arith.index_cast %squeeze3A_803 : i32 to index
      %get3A_822 = arith.constant 32 : index
      %get3A_823 = tpu.vector_load %arg7[%get3A_821, %get3A_822] {strides = array<i32>} : memref<384x80xf32, #tpu.memory_space<vmem>>, vector<16xf32>,
      %mul3A_824 = vector.broadcast %squeeze3A_805 : f32 to vector<16xf32>
      %mul3A_825 = arith.mulf %get3A_823, %mul3A_824 : vector<16xf32>
      %select_n3A_826 = arith.select %eq3A_806, %max3A_770, %broadcast_in_dim3A_7 : vector<16xf32>
      %max3A_827 = arith.maximumf %mul3A_825, %select_n3A_826 : vector<16xf32>
      %get3A_828 = arith.index_cast %squeeze3A_803 : i32 to index
      %get3A_829 = arith.constant 48 : index
      %get3A_830 = tpu.vector_load %arg7[%get3A_828, %get3A_829] {strides = array<i32>} : memref<384x80xf32, #tpu.memory_space<vmem>>, vector<16xf32>,
      %mul3A_831 = vector.broadcast %squeeze3A_805 : f32 to vector<16xf32>
      %mul3A_832 = arith.mulf %get3A_830, %mul3A_831 : vector<16xf32>
      %select_n3A_833 = arith.select %eq3A_806, %max3A_777, %broadcast_in_dim3A_7 : vector<16xf32>
      %max3A_834 = arith.maximumf %mul3A_832, %select_n3A_833 : vector<16xf32>
      %get3A_835 = arith.index_cast %squeeze3A_803 : i32 to index
      %get3A_836 = arith.constant 64 : index
      %get3A_837 = tpu.vector_load %arg7[%get3A_835, %get3A_836] {strides = array<i32>} : memref<384x80xf32, #tpu.memory_space<vmem>>, vector<16xf32>,
      %mul3A_838 = vector.broadcast %squeeze3A_805 : f32 to vector<16xf32>
      %mul3A_839 = arith.mulf %get3A_837, %mul3A_838 : vector<16xf32>
      %select_n3A_840 = arith.select %eq3A_806, %max3A_784, %broadcast_in_dim3A_7 : vector<16xf32>
      %max3A_841 = arith.maximumf %mul3A_839, %select_n3A_840 : vector<16xf32>
      %swap3A_842 = arith.index_cast %squeeze3A_801 : i32 to index
      %swap3A_843 = arith.constant 0 : index
      %swap3A_844 = tpu.vector_load %arg8[%swap3A_842, %swap3A_843] {strides = array<i32>} : memref<384x80xf32, #tpu.memory_space<vmem>>, vector<16xf32>,
      tpu.vector_store %arg8[%swap3A_842, %swap3A_843], %max3A_813 {strides = array<i32>} : memref<384x80xf32, #tpu.memory_space<vmem>>, vector<16xf32>,
      %swap3A_845 = arith.index_cast %squeeze3A_801 : i32 to index
      %swap3A_846 = arith.constant 16 : index
      %swap3A_847 = tpu.vector_load %arg8[%swap3A_845, %swap3A_846] {strides = array<i32>} : memref<384x80xf32, #tpu.memory_space<vmem>>, vector<16xf32>,
      tpu.vector_store %arg8[%swap3A_845, %swap3A_846], %max3A_820 {strides = array<i32>} : memref<384x80xf32, #tpu.memory_space<vmem>>, vector<16xf32>,
      %swap3A_848 = arith.index_cast %squeeze3A_801 : i32 to index
      %swap3A_849 = arith.constant 32 : index
      %swap3A_850 = tpu.vector_load %arg8[%swap3A_848, %swap3A_849] {strides = array<i32>} : memref<384x80xf32, #tpu.memory_space<vmem>>, vector<16xf32>,
      tpu.vector_store %arg8[%swap3A_848, %swap3A_849], %max3A_827 {strides = array<i32>} : memref<384x80xf32, #tpu.memory_space<vmem>>, vector<16xf32>,
      %swap3A_851 = arith.index_cast %squeeze3A_801 : i32 to index
      %swap3A_852 = arith.constant 48 : index
      %swap3A_853 = tpu.vector_load %arg8[%swap3A_851, %swap3A_852] {strides = array<i32>} : memref<384x80xf32, #tpu.memory_space<vmem>>, vector<16xf32>,
      tpu.vector_store %arg8[%swap3A_851, %swap3A_852], %max3A_834 {strides = array<i32>} : memref<384x80xf32, #tpu.memory_space<vmem>>, vector<16xf32>,
      %swap3A_854 = arith.index_cast %squeeze3A_801 : i32 to index
      %swap3A_855 = arith.constant 64 : index
      %swap3A_856 = tpu.vector_load %arg8[%swap3A_854, %swap3A_855] {strides = array<i32>} : memref<384x80xf32, #tpu.memory_space<vmem>>, vector<16xf32>,
      tpu.vector_store %arg8[%swap3A_854, %swap3A_855], %max3A_841 {strides = array<i32>} : memref<384x80xf32, #tpu.memory_space<vmem>>, vector<16xf32>,
      %slice3A_857 = vector.extract_strided_slice %get3A_60 {offsets = [14], sizes = [1], strides = [1]} : vector<16xi32> to vector<1xi32>
      %squeeze3A_858 = vector.extract %slice3A_857[0] : i32 from vector<1xi32>
      %slice3A_859 = vector.extract_strided_slice %get3A_62 {offsets = [14], sizes = [1], strides = [1]} : vector<16xi32> to vector<1xi32>
      %squeeze3A_860 = vector.extract %slice3A_859[0] : i32 from vector<1xi32>
      %slice3A_861 = vector.extract_strided_slice %get3A_64 {offsets = [14], sizes = [1], strides = [1]} : vector<16xf32> to vector<1xf32>
      %squeeze3A_862 = vector.extract %slice3A_861[0] : f32 from vector<1xf32>
      %eq3A_863 = arith.cmpi eq, %squeeze3A_858, %squeeze3A_801 : i32
      %get3A_864 = arith.index_cast %squeeze3A_860 : i32 to index
      %get3A_865 = arith.constant 0 : index
      %get3A_866 = tpu.vector_load %arg7[%get3A_864, %get3A_865] {strides = array<i32>} : memref<384x80xf32, #tpu.memory_space<vmem>>, vector<16xf32>,
      %mul3A_867 = vector.broadcast %squeeze3A_862 : f32 to vector<16xf32>
      %mul3A_868 = arith.mulf %get3A_866, %mul3A_867 : vector<16xf32>
      %select_n3A_869 = arith.select %eq3A_863, %max3A_813, %broadcast_in_dim3A_7 : vector<16xf32>
      %max3A_870 = arith.maximumf %mul3A_868, %select_n3A_869 : vector<16xf32>
      %get3A_871 = arith.index_cast %squeeze3A_860 : i32 to index
      %get3A_872 = arith.constant 16 : index
      %get3A_873 = tpu.vector_load %arg7[%get3A_871, %get3A_872] {strides = array<i32>} : memref<384x80xf32, #tpu.memory_space<vmem>>, vector<16xf32>,
      %mul3A_874 = vector.broadcast %squeeze3A_862 : f32 to vector<16xf32>
      %mul3A_875 = arith.mulf %get3A_873, %mul3A_874 : vector<16xf32>
      %select_n3A_876 = arith.select %eq3A_863, %max3A_820, %broadcast_in_dim3A_7 : vector<16xf32>
      %max3A_877 = arith.maximumf %mul3A_875, %select_n3A_876 : vector<16xf32>
      %get3A_878 = arith.index_cast %squeeze3A_860 : i32 to index
      %get3A_879 = arith.constant 32 : index
      %get3A_880 = tpu.vector_load %arg7[%get3A_878, %get3A_879] {strides = array<i32>} : memref<384x80xf32, #tpu.memory_space<vmem>>, vector<16xf32>,
      %mul3A_881 = vector.broadcast %squeeze3A_862 : f32 to vector<16xf32>
      %mul3A_882 = arith.mulf %get3A_880, %mul3A_881 : vector<16xf32>
      %select_n3A_883 = arith.select %eq3A_863, %max3A_827, %broadcast_in_dim3A_7 : vector<16xf32>
      %max3A_884 = arith.maximumf %mul3A_882, %select_n3A_883 : vector<16xf32>
      %get3A_885 = arith.index_cast %squeeze3A_860 : i32 to index
      %get3A_886 = arith.constant 48 : index
      %get3A_887 = tpu.vector_load %arg7[%get3A_885, %get3A_886] {strides = array<i32>} : memref<384x80xf32, #tpu.memory_space<vmem>>, vector<16xf32>,
      %mul3A_888 = vector.broadcast %squeeze3A_862 : f32 to vector<16xf32>
      %mul3A_889 = arith.mulf %get3A_887, %mul3A_888 : vector<16xf32>
      %select_n3A_890 = arith.select %eq3A_863, %max3A_834, %broadcast_in_dim3A_7 : vector<16xf32>
      %max3A_891 = arith.maximumf %mul3A_889, %select_n3A_890 : vector<16xf32>
      %get3A_892 = arith.index_cast %squeeze3A_860 : i32 to index
      %get3A_893 = arith.constant 64 : index
      %get3A_894 = tpu.vector_load %arg7[%get3A_892, %get3A_893] {strides = array<i32>} : memref<384x80xf32, #tpu.memory_space<vmem>>, vector<16xf32>,
      %mul3A_895 = vector.broadcast %squeeze3A_862 : f32 to vector<16xf32>
      %mul3A_896 = arith.mulf %get3A_894, %mul3A_895 : vector<16xf32>
      %select_n3A_897 = arith.select %eq3A_863, %max3A_841, %broadcast_in_dim3A_7 : vector<16xf32>
      %max3A_898 = arith.maximumf %mul3A_896, %select_n3A_897 : vector<16xf32>
      %swap3A_899 = arith.index_cast %squeeze3A_858 : i32 to index
      %swap3A_900 = arith.constant 0 : index
      %swap3A_901 = tpu.vector_load %arg8[%swap3A_899, %swap3A_900] {strides = array<i32>} : memref<384x80xf32, #tpu.memory_space<vmem>>, vector<16xf32>,
      tpu.vector_store %arg8[%swap3A_899, %swap3A_900], %max3A_870 {strides = array<i32>} : memref<384x80xf32, #tpu.memory_space<vmem>>, vector<16xf32>,
      %swap3A_902 = arith.index_cast %squeeze3A_858 : i32 to index
      %swap3A_903 = arith.constant 16 : index
      %swap3A_904 = tpu.vector_load %arg8[%swap3A_902, %swap3A_903] {strides = array<i32>} : memref<384x80xf32, #tpu.memory_space<vmem>>, vector<16xf32>,
      tpu.vector_store %arg8[%swap3A_902, %swap3A_903], %max3A_877 {strides = array<i32>} : memref<384x80xf32, #tpu.memory_space<vmem>>, vector<16xf32>,
      %swap3A_905 = arith.index_cast %squeeze3A_858 : i32 to index
      %swap3A_906 = arith.constant 32 : index
      %swap3A_907 = tpu.vector_load %arg8[%swap3A_905, %swap3A_906] {strides = array<i32>} : memref<384x80xf32, #tpu.memory_space<vmem>>, vector<16xf32>,
      tpu.vector_store %arg8[%swap3A_905, %swap3A_906], %max3A_884 {strides = array<i32>} : memref<384x80xf32, #tpu.memory_space<vmem>>, vector<16xf32>,
      %swap3A_908 = arith.index_cast %squeeze3A_858 : i32 to index
      %swap3A_909 = arith.constant 48 : index
      %swap3A_910 = tpu.vector_load %arg8[%swap3A_908, %swap3A_909] {strides = array<i32>} : memref<384x80xf32, #tpu.memory_space<vmem>>, vector<16xf32>,
      tpu.vector_store %arg8[%swap3A_908, %swap3A_909], %max3A_891 {strides = array<i32>} : memref<384x80xf32, #tpu.memory_space<vmem>>, vector<16xf32>,
      %swap3A_911 = arith.index_cast %squeeze3A_858 : i32 to index
      %swap3A_912 = arith.constant 64 : index
      %swap3A_913 = tpu.vector_load %arg8[%swap3A_911, %swap3A_912] {strides = array<i32>} : memref<384x80xf32, #tpu.memory_space<vmem>>, vector<16xf32>,
      tpu.vector_store %arg8[%swap3A_911, %swap3A_912], %max3A_898 {strides = array<i32>} : memref<384x80xf32, #tpu.memory_space<vmem>>, vector<16xf32>,
      %slice3A_914 = vector.extract_strided_slice %get3A_60 {offsets = [15], sizes = [1], strides = [1]} : vector<16xi32> to vector<1xi32>
      %squeeze3A_915 = vector.extract %slice3A_914[0] : i32 from vector<1xi32>
      %slice3A_916 = vector.extract_strided_slice %get3A_62 {offsets = [15], sizes = [1], strides = [1]} : vector<16xi32> to vector<1xi32>
      %squeeze3A_917 = vector.extract %slice3A_916[0] : i32 from vector<1xi32>
      %slice3A_918 = vector.extract_strided_slice %get3A_64 {offsets = [15], sizes = [1], strides = [1]} : vector<16xf32> to vector<1xf32>
      %squeeze3A_919 = vector.extract %slice3A_918[0] : f32 from vector<1xf32>
      %eq3A_920 = arith.cmpi eq, %squeeze3A_915, %squeeze3A_858 : i32
      %get3A_921 = arith.index_cast %squeeze3A_917 : i32 to index
      %get3A_922 = arith.constant 0 : index
      %get3A_923 = tpu.vector_load %arg7[%get3A_921, %get3A_922] {strides = array<i32>} : memref<384x80xf32, #tpu.memory_space<vmem>>, vector<16xf32>,
      %mul3A_924 = vector.broadcast %squeeze3A_919 : f32 to vector<16xf32>
      %mul3A_925 = arith.mulf %get3A_923, %mul3A_924 : vector<16xf32>
      %select_n3A_926 = arith.select %eq3A_920, %max3A_870, %broadcast_in_dim3A_7 : vector<16xf32>
      %max3A_927 = arith.maximumf %mul3A_925, %select_n3A_926 : vector<16xf32>
      %get3A_928 = arith.index_cast %squeeze3A_917 : i32 to index
      %get3A_929 = arith.constant 16 : index
      %get3A_930 = tpu.vector_load %arg7[%get3A_928, %get3A_929] {strides = array<i32>} : memref<384x80xf32, #tpu.memory_space<vmem>>, vector<16xf32>,
      %mul3A_931 = vector.broadcast %squeeze3A_919 : f32 to vector<16xf32>
      %mul3A_932 = arith.mulf %get3A_930, %mul3A_931 : vector<16xf32>
      %select_n3A_933 = arith.select %eq3A_920, %max3A_877, %broadcast_in_dim3A_7 : vector<16xf32>
      %max3A_934 = arith.maximumf %mul3A_932, %select_n3A_933 : vector<16xf32>
      %get3A_935 = arith.index_cast %squeeze3A_917 : i32 to index
      %get3A_936 = arith.constant 32 : index
      %get3A_937 = tpu.vector_load %arg7[%get3A_935, %get3A_936] {strides = array<i32>} : memref<384x80xf32, #tpu.memory_space<vmem>>, vector<16xf32>,
      %mul3A_938 = vector.broadcast %squeeze3A_919 : f32 to vector<16xf32>
      %mul3A_939 = arith.mulf %get3A_937, %mul3A_938 : vector<16xf32>
      %select_n3A_940 = arith.select %eq3A_920, %max3A_884, %broadcast_in_dim3A_7 : vector<16xf32>
      %max3A_941 = arith.maximumf %mul3A_939, %select_n3A_940 : vector<16xf32>
      %get3A_942 = arith.index_cast %squeeze3A_917 : i32 to index
      %get3A_943 = arith.constant 48 : index
      %get3A_944 = tpu.vector_load %arg7[%get3A_942, %get3A_943] {strides = array<i32>} : memref<384x80xf32, #tpu.memory_space<vmem>>, vector<16xf32>,
      %mul3A_945 = vector.broadcast %squeeze3A_919 : f32 to vector<16xf32>
      %mul3A_946 = arith.mulf %get3A_944, %mul3A_945 : vector<16xf32>
      %select_n3A_947 = arith.select %eq3A_920, %max3A_891, %broadcast_in_dim3A_7 : vector<16xf32>
      %max3A_948 = arith.maximumf %mul3A_946, %select_n3A_947 : vector<16xf32>
      %get3A_949 = arith.index_cast %squeeze3A_917 : i32 to index
      %get3A_950 = arith.constant 64 : index
      %get3A_951 = tpu.vector_load %arg7[%get3A_949, %get3A_950] {strides = array<i32>} : memref<384x80xf32, #tpu.memory_space<vmem>>, vector<16xf32>,
      %mul3A_952 = vector.broadcast %squeeze3A_919 : f32 to vector<16xf32>
      %mul3A_953 = arith.mulf %get3A_951, %mul3A_952 : vector<16xf32>
      %select_n3A_954 = arith.select %eq3A_920, %max3A_898, %broadcast_in_dim3A_7 : vector<16xf32>
      %max3A_955 = arith.maximumf %mul3A_953, %select_n3A_954 : vector<16xf32>
      %swap3A_956 = arith.index_cast %squeeze3A_915 : i32 to index
      %swap3A_957 = arith.constant 0 : index
      %swap3A_958 = tpu.vector_load %arg8[%swap3A_956, %swap3A_957] {strides = array<i32>} : memref<384x80xf32, #tpu.memory_space<vmem>>, vector<16xf32>,
      tpu.vector_store %arg8[%swap3A_956, %swap3A_957], %max3A_927 {strides = array<i32>} : memref<384x80xf32, #tpu.memory_space<vmem>>, vector<16xf32>,
      %swap3A_959 = arith.index_cast %squeeze3A_915 : i32 to index
      %swap3A_960 = arith.constant 16 : index
      %swap3A_961 = tpu.vector_load %arg8[%swap3A_959, %swap3A_960] {strides = array<i32>} : memref<384x80xf32, #tpu.memory_space<vmem>>, vector<16xf32>,
      tpu.vector_store %arg8[%swap3A_959, %swap3A_960], %max3A_934 {strides = array<i32>} : memref<384x80xf32, #tpu.memory_space<vmem>>, vector<16xf32>,
      %swap3A_962 = arith.index_cast %squeeze3A_915 : i32 to index
      %swap3A_963 = arith.constant 32 : index
      %swap3A_964 = tpu.vector_load %arg8[%swap3A_962, %swap3A_963] {strides = array<i32>} : memref<384x80xf32, #tpu.memory_space<vmem>>, vector<16xf32>,
      tpu.vector_store %arg8[%swap3A_962, %swap3A_963], %max3A_941 {strides = array<i32>} : memref<384x80xf32, #tpu.memory_space<vmem>>, vector<16xf32>,
      %swap3A_965 = arith.index_cast %squeeze3A_915 : i32 to index
      %swap3A_966 = arith.constant 48 : index
      %swap3A_967 = tpu.vector_load %arg8[%swap3A_965, %swap3A_966] {strides = array<i32>} : memref<384x80xf32, #tpu.memory_space<vmem>>, vector<16xf32>,
      tpu.vector_store %arg8[%swap3A_965, %swap3A_966], %max3A_948 {strides = array<i32>} : memref<384x80xf32, #tpu.memory_space<vmem>>, vector<16xf32>,
      %swap3A_968 = arith.index_cast %squeeze3A_915 : i32 to index
      %swap3A_969 = arith.constant 64 : index
      %swap3A_970 = tpu.vector_load %arg8[%swap3A_968, %swap3A_969] {strides = array<i32>} : memref<384x80xf32, #tpu.memory_space<vmem>>, vector<16xf32>,
      tpu.vector_store %arg8[%swap3A_968, %swap3A_969], %max3A_955 {strides = array<i32>} : memref<384x80xf32, #tpu.memory_space<vmem>>, vector<16xf32>,
      scf.yield %squeeze3A_915, %max3A_927, %max3A_934, %max3A_941, %max3A_948, %max3A_955 : i32, vector<16xf32>, vector<16xf32>, vector<16xf32>, vector<16xf32>, vector<16xf32>
    }
    %scan3A_50 = arith.constant 384 : i32
    "tpu.region"() ({
      %run_scoped3A = tpu.sem_alloc : memref<!tpu.dma_semaphore, #tpu.memory_space<semaphore_mem>>
      %dma_start3A = arith.constant 0 : i32
      %dma_start3A_51 = tpu.memref_slice %arg6[%arg0, %dma_start3A, %mul3A_0] : memref<2x384x1280xf32, #tpu.memory_space<hbm>> -> memref<1x384x80xf32, #tpu.memory_space<hbm>>
      %dma_start3A_52 = tpu.memref_squeeze %dma_start3A_51 : memref<1x384x80xf32, #tpu.memory_space<hbm>> -> memref<384x80xf32, #tpu.memory_space<hbm>>
      %dma_start3A_53 = arith.constant 0 : i32
      %dma_start3A_54 = tpu.memref_slice %arg6[%arg0, %dma_start3A_53, %mul3A_0] : memref<2x384x1280xf32, #tpu.memory_space<hbm>> -> memref<1x384x80xf32, #tpu.memory_space<hbm>>
      %dma_start3A_55 = tpu.memref_squeeze %dma_start3A_54 : memref<1x384x80xf32, #tpu.memory_space<hbm>> -> memref<384x80xf32, #tpu.memory_space<hbm>>
      tpu.enqueue_dma source(%arg8 : memref<384x80xf32, #tpu.memory_space<vmem>>) target(%dma_start3A_55 : memref<384x80xf32, #tpu.memory_space<hbm>>) target_semaphore(%run_scoped3A : memref<!tpu.dma_semaphore, #tpu.memory_space<semaphore_mem>>)
      %dma_wait3A = arith.constant 0 : i32
      %dma_wait3A_56 = tpu.memref_slice %arg6[%arg0, %dma_wait3A, %mul3A_0] : memref<2x384x1280xf32, #tpu.memory_space<hbm>> -> memref<1x384x80xf32, #tpu.memory_space<hbm>>
      %dma_wait3A_57 = tpu.memref_squeeze %dma_wait3A_56 : memref<1x384x80xf32, #tpu.memory_space<hbm>> -> memref<384x80xf32, #tpu.memory_space<hbm>>
      %dma_wait3A_58 = arith.constant 0 : i32
      %dma_wait3A_59 = tpu.memref_slice %arg6[%arg0, %dma_wait3A_58, %mul3A_0] : memref<2x384x1280xf32, #tpu.memory_space<hbm>> -> memref<1x384x80xf32, #tpu.memory_space<hbm>>
      %dma_wait3A_60 = tpu.memref_squeeze %dma_wait3A_59 : memref<1x384x80xf32, #tpu.memory_space<hbm>> -> memref<384x80xf32, #tpu.memory_space<hbm>>
      tpu.wait_dma2 semaphore(%run_scoped3A : memref<!tpu.dma_semaphore, #tpu.memory_space<semaphore_mem>>) src(%arg8 : memref<384x80xf32, #tpu.memory_space<vmem>>) dst(%dma_wait3A_60 : memref<384x80xf32, #tpu.memory_space<hbm>>)
      tpu.yield
    }) : () -> ()
    return
  }
}

</mosaic_0001>

<sc_bundles>
// kernel: _sc_seg_max.3.cloned.1.call-start
scs
__scs_entry_jumppad:
0x0: {  	(pc) =	sbr.rel $0x88, $3  }
0x1: {  	(tag) =	ssettag $0x0;
	lr =	simm.s32 $0x1  }
0x2: {  	[smem:$0x3F9D] =	sst lr;
	_ =	strace $0xD0000000  }
0x3: {  	_ = 	snop  }
0x4: {  	_ = 	snop  }
0x5: {  	_ = 	snop  }
0x6: {  	_ = 	snop  }
0x7: {  	_ = 	snop  }
__scs_overlays_trampoline_lowered:
0x8: {  	[smem:$0x3FAC] =	sst s0  }
0x9: {  	[smem:$0x3FAD] =	sst s1  }
0xa: {  	[smem:$0x3FAE] =	sst s2  }
0xb: {  	[smem:$0x3FAF] =	sst s3  }
0xc: {  	[smem:$0x3FB0] =	sst s4  }
0xd: {  	[smem:$0x3FB1] =	sst s5  }
0xe: {  	[smem:$0x3FB2] =	sst s6  }
0xf: {  	[smem:$0x3FB3] =	sst s7  }
0x10: {  	[smem:$0x3FB4] =	sst s8  }
0x11: {  	[smem:$0x3FB5] =	sst s9;
	s0 =	simm.s32 @!p0 $0x0  }
0x12: {  	s1 =	sld [smem:$0x3F9B];
	s0 =	simm.s32 @p0 $0x1  }
0x13: {  	[smem:$0x3FB6] =	sst s0;
	s0 =	simm.s32 @!p1 $0x0  }
0x14: {  	s2 =	sld [smem:$0x3F9A];
	s0 =	simm.s32 @p1 $0x1  }
0x15: {  	[smem:$0x3FB7] =	sst s0;
	s0 =	simm.s32 @!p2 $0x0  }
0x16: {  	s3 =	sld [smem:$0x3FDB];
	s0 =	simm.s32 @p2 $0x1  }
0x17: {  	s4 =	simm.s32 $0x1BF5;
	[smem:$0x3FB9] =	sst s0  }
0x18: {  	s0 =	sld [smem:$0x3F9C];
	_ =	swait.ge [sflag:s4], $0x0  }
0x19: {  	s7 =	sld [smem:$0x3F9D]  }
0x1a: {  	s8 =	sadd.s32 $0xFFFFE003, lr  }
0x1b: {  	s9 =	sadd.s32 $0xFFFFFEF7, lr;
	s5 =	simm.s32 $0xFFFFFFFF;
	p2 =	slt.u32 s8, $0xFFFFF086  }
0x1c: {  	p1 =	slt.u32 s9, $0xF7A;
	s5 =	simm.s32 @!p2 $0x0  }
0x1d: {  	s5 =	simm.s32 @p1 $0x1;
	p0 =	seq.s32 s7, s2  }
0x1e: {  	s7 =	smul.u32 @!p0 $0xF7A, s2;
	p2 =	seq.s32 @!p0 s5, $0x0  }
0x1f: {  	s9 =	smul.u32 $0xF7A, s1;
	s8 =	simm.s32 @!p0 $0x1BF5;
	p2 =	por !p2, p0  }
0x20: {  	[sflag:s8] =	ssyncset.s32 @!p0 $0xFFFFF086;
	s6 =	sadd.s32 @!p0 s3, s7;
	s7 =	simm.s32 @!p0 $0x108  }
0x21: {  	s3 =	sadd.s32 s3, s9;
	s6 =	sadd.s32 @!p0 $0x88, s6;
	s7 =	simm.s32 @p2 $0x1082  }
0x22: {  	[simem:s7], [sflag:s8] =	dma.local @!p0 [hbm:s6], $0xF7A  }
0x23: {  	s9 =	sor.u32 $0xD0000000, s2;
	s6 =	simm.s32 $0x108;
	_ =	swait.ge @!p0 [sflag:s8], $0x0  }
0x24: {  	s3 =	sadd.s32 $0x88, s3;
	s6 =	simm.s32 @!p1 $0x1082;
	[sflag:s4] =	ssyncset.s32 $0xFFFFF086  }
0x25: {  	[simem:s6], [sflag:s4] =	dma.local [hbm:s3], $0xF7A  }
0x26: {  	[smem:$0x3F9D] =	sst s1;
	(tag) =	ssettag s2;
	_ =	strace s9  }
0x27: {  	s1 =	sld [smem:$0x3FAD]  }
0x28: {  	s2 =	sld [smem:$0x3FAE]  }
0x29: {  	s4 =	sld [smem:$0x3FB0]  }
0x2a: {  	p0 =	seq.s32 s5, $0x0;
	s5 =	sld [smem:$0x3FB1]  }
0x2b: {  	s6 =	sld [smem:$0x3FB2]  }
0x2c: {  	s7 =	sld [smem:$0x3FB3]  }
0x2d: {  	s3 =	simm.s32 $0x108;
	s8 =	sld [smem:$0x3FB4]  }
0x2e: {  	s3 =	simm.s32 @!p0 $0x1082;
	s9 =	sld [smem:$0x3FB5]  }
0x2f: {  	lr =	sadd.s32 s0, s3;
	s0 =	sld [smem:$0x3FAC]  }
0x30: {  	s3 =	sld [smem:$0x3FAF]  }
0x31: {  	[smem:$0x3FB8] =	sst s10  }
0x32: {  	s10 =	sld [smem:$0x3FB6];
	_ =	sdelay $0x3  }
0x33: {  	p0 =	seq.s32 s10, $0x1;
	s10 =	sld [smem:$0x3FB8];
	_ =	sdelay $0x3  }
0x34: {  	[smem:$0x3FB8] =	sst s10  }
0x35: {  	s10 =	sld [smem:$0x3FB7];
	_ =	sdelay $0x3  }
0x36: {  	p1 =	seq.s32 s10, $0x1;
	s10 =	sld [smem:$0x3FB8];
	_ =	sdelay $0x3  }
0x37: {  	[smem:$0x3FB8] =	sst s10  }
0x38: {  	s10 =	sld [smem:$0x3FB9]  }
0x39: {  	_ = 	snop;
	(pc) =	sbr.ind lr, $3  }
0x3a: {  	_ = 	snop  }
0x3b: {  	_ = 	snop  }
0x3c: {  	p2 =	seq.s32 s10, $0x1;
	s10 =	sld [smem:$0x3FB8]  }
0x3d: {  	_ =	shalt  }
0x3e: {  	_ =	shalt  }
0x3f: {  	_ =	shalt  }
0x40: {  	_ =	shalt  }
0x41: {  	_ =	shalt  }
0x42: {  	_ =	shalt  }
0x43: {  	_ =	shalt  }
0x44: {  	_ =	shalt  }
0x45: {  	_ =	shalt  }
0x46: {  	_ =	shalt  }
0x47: {  	_ =	shalt  }
0x48: {  	_ =	shalt  }
0x49: {  	_ =	shalt  }
0x4a: {  	_ =	shalt  }
0x4b: {  	_ =	shalt  }
0x4c: {  	_ =	shalt  }
0x4d: {  	_ =	shalt  }
0x4e: {  	_ =	shalt  }
0x4f: {  	_ =	shalt  }
0x50: {  	_ =	shalt  }
0x51: {  	_ =	shalt  }
0x52: {  	_ =	shalt  }
0x53: {  	_ =	shalt  }
0x54: {  	_ =	shalt  }
0x55: {  	_ =	shalt  }
0x56: {  	_ =	shalt  }
0x57: {  	_ =	shalt  }
0x58: {  	_ =	shalt  }
0x59: {  	_ =	shalt  }
0x5a: {  	_ =	shalt  }
0x5b: {  	_ =	shalt  }
0x5c: {  	_ =	shalt  }
0x5d: {  	_ =	shalt  }
0x5e: {  	_ =	shalt  }
0x5f: {  	_ =	shalt  }
0x60: {  	_ =	shalt  }
0x61: {  	_ =	shalt  }
0x62: {  	_ =	shalt  }
0x63: {  	_ =	shalt  }
0x64: {  	_ =	shalt  }
0x65: {  	_ =	shalt  }
0x66: {  	_ =	shalt  }
0x67: {  	_ =	shalt  }
0x68: {  	_ =	shalt  }
0x69: {  	_ =	shalt  }
0x6a: {  	_ =	shalt  }
0x6b: {  	_ =	shalt  }
0x6c: {  	_ =	shalt  }
0x6d: {  	_ =	shalt  }
0x6e: {  	_ =	shalt  }
0x6f: {  	_ =	shalt  }
0x70: {  	_ =	shalt  }
0x71: {  	_ =	shalt  }
0x72: {  	_ =	shalt  }
0x73: {  	_ =	shalt  }
0x74: {  	_ =	shalt  }
0x75: {  	_ =	shalt  }
0x76: {  	_ =	shalt  }
0x77: {  	_ =	shalt  }
0x78: {  	_ =	shalt  }
0x79: {  	_ =	shalt  }
0x7a: {  	_ =	shalt  }
0x7b: {  	_ =	shalt  }
0x7c: {  	_ =	shalt  }
0x7d: {  	_ =	shalt  }
0x7e: {  	_ =	shalt  }
0x7f: {  	_ =	shalt  }
0x80: {  	_ =	shalt  }
0x81: {  	_ =	shalt  }
0x82: {  	_ =	shalt  }
0x83: {  	_ =	shalt  }
0x84: {  	_ =	shalt  }
0x85: {  	_ =	shalt  }
0x86: {  	_ =	shalt  }
0x87: {  	_ =	shalt  }
.Lfunc_end0:
.L_simem_size_0:
called_computation_lowered:
.L_overlay_start_0:
0x88: {  	s2 =	sld [smem:$0x3FD9]  }
0x89: {  	s3 =	sld [smem:$0x3FFE];
	_ =	sdelay $0x1  }
0x8a: {  	s1 =	srdreg.scid  }
0x8b: {  	s0 =	sand.u32 $0x1, s1  }
0x8c: {  	s17 =	sshll.u32 s0, $0xA;
	s2 =	sadd.s32 s3, s2  }
0x8d: {  	s2 =	sadd.s32 s2, s17  }
0x8e: {  	[smem:$0x3FC4] =	sst s2  }
0x8f: {  	_ = 	snop  }
0x90: {  	s2 =	sld [smem:$0x3FC8]  }
0x91: {  	s18 =	sld [smem:$0x3FC7]  }
0x92: {  	s4 =	sld [smem:$0x3FC6]  }
0x93: {  	s5 =	sld [smem:$0x3FD0];
	(tm) =	ssettm $0x1  }
0x94: {  	s6 =	sld [smem:$0x3FFB];
	_ =	sdelay $0x3  }
0x95: {  	_ =	strace s6  }
0x96: {  	s6 =	sld [smem:$0x3FFC];
	_ =	sdelay $0x3  }
0x97: {  	_ =	strace s6  }
0x98: {  	s6 =	sld [smem:$0x3FFD];
	_ =	sdelay $0x3  }
0x99: {  	_ =	strace s6  }
0x9a: {  	_ =	strace $0x8FFFFFFF  }
0x9b: {  	s19 =	sld [smem:$0x3FDB];
	_ =	sdelay $0x1  }
0x9c: {  	s7 =	simm.s32 $_scs_section_size  }
0x9d: {  	s8 =	simm.s32 $_size__tile_overlayer_lowered;
	s9 =	simm.s32 $_tile_overlayer_lowered  }
0x9e: {  	s22 =	simm.s32 $0x1BFF;
	s21 =	sshll.u32 s9, $0x1;
	s6 =	sadd.s32 s7, s19  }
0x9f: {  	s10 =	simm.s32 $0x0;
	s20 =	sshll.u32 s8, $0x1;
	s8 =	sadd.s32 s21, s6  }
0xa0: {  	[timem:s10], [sflag:s22] =	dma.local [hbm:s8], s20  }
0xa1: {  	_ =	swait.ge [sflag:s22], s20  }
0xa2: {  	s7 =	ssub.s32 $0x0, s20;
	[sflag:s22] =	ssyncset.done $0x0  }
0xa3: {  	[sflag:s22] =	ssyncadd.s32 s7;
	_ =	sdelay $0x1  }
0xa4: {  	s23 =	simm.s32 $0x1B8B  }
0xa5: {  	_ =	swait.ge [sflag:s23], $0x1  }
0xa6: {  	[sflag:s23] =	ssyncset.done $0x0  }
0xa7: {  	s25 =	simm.s32 $0x1B8E;
	s24 =	sld [smem:$0x3FFE];
	[sflag:s23] =	ssyncadd.s32 $0xFFFFFFFF  }
0xa8: {  	s26 =	simm.s32 $execute0_lowered;
	[smem:$0x3FD2] =	sst s25  }
0xa9: {  	s8 =	sshll.u32 s26, $0x1;
	_ =	strace $0x80000046;
	[dreg:$0x1] =	wrdreg $0xFFFFFFFF  }
0xaa: {  	s28 =	simm.s32 $_size_execute0_lowered;
	s6 =	sadd.s32 s6, s8;
	[dreg:$0x0] =	wrdreg $0x0  }
0xab: {  	s8 =	sshll.u32 s28, $0x1;
	[dreg:$0x2] =	wrdreg s6  }
0xac: {  	[dreg:$0x3] =	wrdreg s8  }
0xad: {  	[dreg:$0x4] =	wrdreg $0xC0  }
0xae: {  	_ =	task [dreg:s10], $0x5FFFF  }
0xaf: {  	[dreg:$0x1] =	wrdreg $0xFFFFFFFF  }
0xb0: {  	[dreg:$0x0] =	wrdreg $0x60  }
0xb1: {  	[dreg:$0x2] =	wrdreg s5  }
0xb2: {  	[dreg:$0x3] =	wrdreg s2  }
0xb3: {  	[dreg:$0x4] =	wrdreg s18  }
0xb4: {  	[dreg:$0x5] =	wrdreg s4  }
0xb5: {  	[dreg:$0x6] =	wrdreg s24  }
0xb6: {  	[dreg:$0x7] =	wrdreg $0x9  }
0xb7: {  	_ =	task.clear_ibuf [dreg:s10], $0x8FFFF;
	_ =	strace $0x90000046  }
0xb8: {  	s29 =	simm.s32 $0x9;
	_ =	strace $0x80000048  }
0xb9: {  	_ =	swait.ge [sflag:s29], $0x1  }
0xba: {  	[sflag:s29] =	ssyncadd.s32 $0xFFFFFFFF  }
0xbb: {  	_ =	strace $0x90000048  }
0xbc: {  	_ =	sfence  }
0xbd: {  	s30 =	sld [smem:$0x0];
	_ =	sdelay $0x2  }
0xbe: {  	s31 =	sshll.u32 s1, $0xD;
	s1 =	sshrl.u32 s1, $0x2  }
0xbf: {  	s3 =	sand.u32 $0x4000, s31;
	s1 =	sadd.s32 s1, s30  }
0xc0: {  	s0 =	sor.u32 s3, s0;
	s1 =	sshll.u32 s1, $0x11  }
0xc1: {  	s0 =	sor.u32 s1, s0  }
0xc2: {  	s0 =	sadd.s32 $0x8F2B, s0  }
0xc3: {  	[sflag:s0] =	ssyncadd.remote.s32 $0x1  }
0xc4: {  	_ =	sfence.sel $0xFFFF  }
0xc5: {  	[dreg:$0x0] =	wrdreg $0xFFFFFFFF;
	(pc) =	sbr.abs _section_cstart, $3  }
0xc6: {  	[dreg:$0x1] =	wrdreg $0xFFFFFFFF  }
0xc7: {  	_ =	task.clear_ibuf [dreg:s10], $0x2FFFF;
	_ =	strace $0x9FFFFFFF  }
0xc8: {  	(tm) =	ssettm $0x7FFFFFFF  }
0xc9: {  	_ =	shalt  }
tec
execute0_lowered:
.L_overlay_start_1:
0x0: {  	(tag) =	ssettag $0x1  }
0x1: {  	s3 =	rddreg [dreg:$0x0]  }
0x2: {  	s4 =	rddreg [dreg:$0x1]  }
0x3: {  	s5 =	rddreg [dreg:$0x2]  }
0x4: {  	s1 =	srdreg.scid;
	s6 =	rddreg [dreg:$0x3]  }
0x5: {  	s0 =	stileid.u32;
	s9 =	rddreg [dreg:$0x4];
	s2 =	simm.s32 $0x0  }
0x6: {  	s13 =	simm.s32 $0x10800;
	s14 =	simm.s32 $0x12000;
	s15 =	simm.s32 $0x18000  }
0x7: {  	s16 =	simm.s32 $0x18180;
	s17 =	simm.s32 $0x13800;
	s18 =	simm.s32 $0x15000  }
0x8: {  	s19 =	simm.s32 $0x16800;
	s20 =	simm.s32 $0x7800;
	s21 =	simm.s32 $0x0  }
0x9: {  	s7 =	sand.u32 $0x1, s1;
	s8 =	smul.u32 $0x50, s0;
	s1 =	rddreg [dreg:$0x5]  }
0xa: {  	[smem:$0x7FF] =	sst s2;
	s10 =	smul.u32 $0x78000, s7;
	s11 =	ssub.s32 $0x2, s7  }
0xb: {  	_ =	strace $0x80000047;
	s7 =	smul.u32 $0x300, s7;
	s12 =	sshrl.u32 s11, $0x1  }
0xc: {  	s10 =	sor.u32 s8, s10;
	s8 =	sshrl.u32 s8, $0x3;
	s31 =	ssub.s32 s11, s12  }
0xd: {  	s4 =	sadd.s32 s4, s7;
	s5 =	sadd.s32 s5, s7;
	s6 =	sadd.s32 s6, s7  }
0xe: {  	s11 =	simm.s32 $0x1;
	s12 =	simm.s32 $0xF000;
	s10 =	sshrl.u32 s10, $0x3  }
0xf: {  	s3 =	sadd.s32 s3, s8;
	s8 =	smax.u32 s31, $0x1;
	s9 =	sadd.s32 s10, s9  }
0x10: {  	v0 =	vimm.f32 $-Inf;
	v1 =	vimm.s32 $0x0;
	v2 =	vimm.s32 $0x1;
	s10 =	simm.s32 $0x500;
	s7 =	sadd.s32 $0x400, s9;
	s9 =	simm.s32 $0x50  }
.LBB2_1:
0x11: {  	[tilespmem:s2], [sflag:$0x1] =	stream.strided.gather [hbm4b:s3+s9], $0x7800, s10, s9, $0x38;
	[tilespmem:$0x18300] =	vst v63  }
0x12: {  	_ =	swait.ge [sflag:s11], $0x7800  }
0x13: {  	[sflag:s11] =	ssyncset.done $0x0  }
0x14: {  	[sflag:s11] =	ssyncadd.s32 $0xFFFF8800  }
0x15: {  	[tilespmem:s12], [sflag:$0x1] =	stream.linear.gather [hbm4b:s4+s2], $0x1800, $0x38;
	[tilespmem:$0x18300] =	vst v63  }
0x16: {  	_ =	swait.ge [sflag:s11], $0x1800  }
0x17: {  	[sflag:s11] =	ssyncset.done $0x0  }
0x18: {  	[sflag:s11] =	ssyncadd.s32 $0xFFFFE800  }
0x19: {  	[tilespmem:s13], [sflag:$0x1] =	stream.linear.gather [hbm4b:s5+s2], $0x1800, $0x38;
	[tilespmem:$0x18300] =	vst v63  }
0x1a: {  	_ =	swait.ge [sflag:s11], $0x1800  }
0x1b: {  	[sflag:s11] =	ssyncset.done $0x0  }
0x1c: {  	[sflag:s11] =	ssyncadd.s32 $0xFFFFE800  }
0x1d: {  	[tilespmem:s14], [sflag:$0x1] =	stream.linear.gather [hbm4b:s6+s2], $0x1800, $0x38;
	[tilespmem:$0x18300] =	vst v63  }
0x1e: {  	_ =	swait.ge [sflag:s11], $0x1800  }
0x1f: {  	[sflag:s11] =	ssyncset.done $0x0  }
0x20: {  	s23 =	simm.s32 $0x140;
	s22 =	simm.s32 $0x0;
	[sflag:s11] =	ssyncadd.s32 $0xFFFFE800  }
.LBB2_2:
0x21: {  	p0 =	sne.s32 s23, $0x1DEC0;
	[tilespmem:s22+$0x7840] =	vst v0;
	s24 =	smov.u32 s23;
	s23 =	sadd.s32 $0x140, s23  }
.Ltmp0:
0x22: {  	[tilespmem:s22+$0x7830] =	vst v0;
	(pc) =	sbr.rel @p0 .LBB2_2-.Ltmp0, $4  }
0x23: {  	[tilespmem:s22+$0x7820] =	vst v0  }
0x24: {  	[tilespmem:s22+$0x7800] =	vst v0  }
0x25: {  	[tilespmem:s22+$0x7810] =	vst v0  }
0x26: {  	s22 =	sshra.s32 s24, $0x2  }
0x27: {  	[tilespmem:s22+$0x7840] =	vst v0  }
0x28: {  	[tilespmem:s22+$0x7830] =	vst v0  }
0x29: {  	[tilespmem:s22+$0x7820] =	vst v0  }
0x2a: {  	[tilespmem:s22+$0x7800] =	vst v0  }
0x2b: {  	[tilespmem:s22+$0x7810] =	vst v0  }
0x2c: {  	[tilespmem:$0x18000] =	vst v1  }
0x2d: {  	[tilespmem:$0x18010] =	vst v1  }
0x2e: {  	[tilespmem:$0x18020] =	vst v1  }
0x2f: {  	[tilespmem:$0x18030] =	vst v1  }
0x30: {  	[tilespmem:$0x18040] =	vst v1  }
0x31: {  	[tilespmem:$0x18050] =	vst v1  }
0x32: {  	[tilespmem:$0x18060] =	vst v1  }
0x33: {  	[tilespmem:$0x18070] =	vst v1  }
0x34: {  	[tilespmem:$0x18080] =	vst v1  }
0x35: {  	[tilespmem:$0x18090] =	vst v1  }
0x36: {  	[tilespmem:$0x180A0] =	vst v1  }
0x37: {  	[tilespmem:$0x180B0] =	vst v1  }
0x38: {  	[tilespmem:$0x180C0] =	vst v1  }
0x39: {  	[tilespmem:$0x180D0] =	vst v1  }
0x3a: {  	[tilespmem:$0x180E0] =	vst v1  }
0x3b: {  	[tilespmem:$0x180F0] =	vst v1  }
0x3c: {  	[tilespmem:$0x18100] =	vst v1  }
0x3d: {  	[tilespmem:$0x18110] =	vst v1  }
0x3e: {  	[tilespmem:$0x18120] =	vst v1  }
0x3f: {  	[tilespmem:$0x18130] =	vst v1  }
0x40: {  	[tilespmem:$0x18140] =	vst v1  }
0x41: {  	[tilespmem:$0x18150] =	vst v1  }
0x42: {  	[tilespmem:$0x18160] =	vst v1  }
0x43: {  	s22 =	simm.s32 $0x0;
	s24 =	simm.s32 $0x0;
	s23 =	simm.s32 $0x40;
	[tilespmem:$0x18170] =	vst v1  }
.LBB2_4:
0x44: {  	p0 =	sne.s32 s23, $0x5FC0;
	v3 =	vld [tilespmem:s24+$0x10800];
	_ =	sdelay $0x3  }
.Ltmp1:
0x45: {  	(pc) =	sbr.rel @p0 .LBB2_4-.Ltmp1, $2  }
0x46: {  	_ =	sdelay $0x2  }
0x47: {  	s24 =	sshra.s32 s23, $0x2;
	s23 =	sadd.s32 $0x40, s23;
	[tilespmem:v3+s15+$0x0] =	vst.idx.add.s32.msk $0xffff, v2  }
0x48: {  	v3 =	vld [tilespmem:s24+$0x10800];
	_ =	sdelay $0x7  }
0x49: {  	s25 =	simm.s32 $0x0;
	[tilespmem:v3+s15+$0x0] =	vst.idx.add.s32.msk $0xffff, v2  }
0x4a: {  	s23 =	simm.s32 $0x10;
	v4 =	vld [tilespmem:s25+$0x18000]  }
0x4b: {  	v3 =	vld [tilespmem:s23+$0x18000];
	_ =	sdelay $0x3  }
0x4c: {  	(xrf0) =	vadd.scan.msk.s32 $0xffff, v4  }
0x4d: {  	(xrf0) =	vadd.scan.msk.s32 $0xffff, v3;
	_ =	sdelay $0x4  }
0x4e: {  	s24 =	simm.s32 $0x20;
	v8, _, _ =	vpop (xrf0)  }
0x4f: {  	v6 =	vld [tilespmem:s24+$0x18000];
	(v2sf) =	vpush v8, $0xF;
	v7, _, _ =	vpop (xrf0)  }
0x50: {  	(v2sf) =	vpush v7, $0xF;
	_ =	sdelay $0x3  }
0x51: {  	s26 =	simm.s32 $0x30;
	(xrf0) =	vadd.scan.msk.s32 $0xffff, v6  }
0x52: {  	v5 =	vld [tilespmem:s26+$0x18000];
	_ =	sdelay $0x3  }
0x53: {  	s28 =	simm.s32 $0x100  }
.LBB2_6:
0x54: {  	s29 =	sshra.s32 s28, $0x2;
	p0 =	sne.s32 s28, $0x5C0;
	s28 =	sadd.s32 $0x40, s28;
	(xrf0) =	vadd.scan.msk.s32 $0xffff, v5;
	v9, _, _ =	vpop (xrf0);
	v10 =	vsub.s32 s22, v4;
	v4 =	vmov v3;
	v3 =	vmov v6  }
.Ltmp2:
0x55: {  	v6 =	vmovc v5;
	(v2sf) =	vpush v9, $0xF;
	v10 =	vadd.s32 v8, v10;
	v8 =	vmovc v7;
	v7 =	vmov v9;
	v5 =	vld [tilespmem:s29+$0x18000];
	(pc) =	sbr.rel @p0 .LBB2_6-.Ltmp2, $4  }
0x56: {  	[tilespmem:s25+$0x18180] =	vst v10;
	s25 =	smov.u32 s23;
	s23 =	smov.u32 s24;
	s24 =	smov.u32 s26  }
0x57: {  	s26 =	smov.u32 s29  }
0x58: {  	s29 =	spop (v2sf)  }
0x59: {  	s22 =	sadd.s32 s22, s29  }
0x5a: {  	(xrf0) =	vadd.scan.msk.s32 $0xffff, v5;
	_ =	sdelay $0x1  }
0x5b: {  	v9, _, _ =	vpop (xrf0)  }
0x5c: {  	(v2sf) =	vpush v9, $0xF;
	_ =	sdelay $0x2  }
0x5d: {  	v10, _, _ =	vpop (xrf0)  }
0x5e: {  	(v2sf) =	vpush v10, $0xF;
	_ =	sdelay $0x8  }
0x5f: {  	s28 =	spop (v2sf)  }
0x60: {  	v4 =	vsub.s32 s22, v4;
	s31 =	sadd.s32 s22, s28;
	s29 =	spop (v2sf)  }
0x61: {  	v4 =	vadd.s32 v8, v4;
	v3 =	vsub.s32 s31, v3;
	s22 =	sadd.s32 s31, s29;
	s30 =	spop (v2sf)  }
0x62: {  	[tilespmem:s25+$0x18180] =	vst v4;
	v3 =	vadd.s32 v7, v3;
	v62 =	vsub.s32 s22, v6;
	s22 =	sadd.s32 s22, s30  }
0x63: {  	[tilespmem:s23+$0x18180] =	vst v3;
	v3 =	vadd.s32 v9, v62;
	v63 =	vsub.s32 s22, v5  }
0x64: {  	[tilespmem:s24+$0x18180] =	vst v3;
	v3 =	vadd.s32 v10, v63  }
0x65: {  	s23 =	simm.s32 $0x0;
	s22 =	simm.s32 $0x0;
	[tilespmem:s26+$0x18180] =	vst v3;
	s31 =	spop (v2sf)  }
.LBB2_8:
0x66: {  	s24 =	sshra.s32 s23, $0x2  }
0x67: {  	v3 =	vld [tilespmem:s24+$0x10800];
	_ =	sdelay $0x4  }
0x68: {  	(xrf1) =	vunique.msk.u32 $0xffff, v3;
	_ =	sdelay $0x9  }
0x69: {  	v4 =	vld.idx.msk [tilespmem:v3+s16+$0x0], $0xffff;
	_ =	sdelay $0x3  }
0x6a: {  	_, v5, vm0 =	vpop (xrf1)  }
0x6b: {  	v4 =	vadd.s32 v5, v4  }
0x6c: {  	v63 =	vld [tilespmem:s24+$0xF000];
	v6 =	vadd.s32 $0xFFFFFFFF, v4;
	_ =	sdelay $0x1  }
0x6d: {  	v7 =	vld [tilespmem:s24+$0x12000]  }
0x6e: {  	p0 =	sne.s32 s23, $0x5FC0  }
.Ltmp3:
0x6f: {  	_ = 	snop;
	(pc) =	sbr.rel @p0 .LBB2_8-.Ltmp3, $4  }
0x70: {  	[tilespmem:v6+s17+$0x0] =	vst.idx.msk $0xffff, v63  }
0x71: {  	[tilespmem:v6+s18+$0x0] =	vst.idx.msk $0xffff, v3  }
0x72: {  	[tilespmem:v6+s19+$0x0] =	vst.idx.msk $0xffff, v7  }
0x73: {  	s23 =	sadd.s32 $0x40, s23;
	[tilespmem:v3+s16+$0x0] =	vst.idx.msk vm0, v4  }
0x74: {  	v6 =	vimm.f32 $-Inf;
	v7 =	vimm.f32 $-Inf  }
0x75: {  	s23 =	simm.s32 $0xFFFFFFFF;
	v8 =	vimm.f32 $-Inf;
	v9 =	vimm.f32 $-Inf;
	v10 =	vimm.f32 $-Inf  }
.LBB2_10:
0x76: {  	s24 =	sshra.s32 s22, $0x2  }
0x77: {  	v3 =	vld [tilespmem:s24+$0x13800];
	_ =	sdelay $0x1  }
0x78: {  	v5 =	vld [tilespmem:s24+$0x15000];
	_ =	sdelay $0x2  }
0x79: {  	v3 =	vmul.u32 $0x140, v3;
	_ =	sdelay $0x1  }
0x7a: {  	(v2sf) =	vpush v5, $0x0;
	v4 =	vshra.s32 v3, $0x2  }
0x7b: {  	(v2sf) =	vpush v4, $0x0;
	_ =	sdelay $0xc  }
0x7c: {  	(v2sf) =	vpush v5, $0x1  }
0x7d: {  	v3 =	vld [tilespmem:s24+$0x16800];
	s24 =	spop (v2sf);
	(v2sf) =	vpush v4, $0x1  }
0x7e: {  	s25 =	spop (v2sf)  }
0x7f: {  	v11 =	vld [tilespmem:s25+$0x0]  }
0x80: {  	v12 =	vld [tilespmem:s25+$0x10]  }
0x81: {  	v13 =	vld [tilespmem:s25+$0x20]  }
0x82: {  	v14 =	vbroadcast v3, $0x0;
	v16 =	vld [tilespmem:s25+$0x40]  }
0x83: {  	v15 =	vld [tilespmem:s25+$0x30]  }
0x84: {  	v11 =	vmul.f32 v14, v11  }
0x85: {  	s31 =	smul.u32 $0x140, s24;
	v12 =	vmul.f32 v12, v14  }
0x86: {  	p0 =	seq.s32 s24, s23;
	v13 =	vmul.f32 v13, v14;
	v10 =	vmax.f32 v11, v10  }
0x87: {  	s26 =	sshra.s32 s31, $0x2;
	v23 =	vmul.f32 v16, v14;
	v9 =	vmax.f32 v12, v9;
	v10 =	vpsel p0, v10, v11  }
0x88: {  	v8 =	vmax.f32 v13, v8;
	v11 =	vmul.f32 v15, v14;
	v9 =	vpsel p0, v9, v12;
	[tilespmem:s26+$0x7800] =	vst v10  }
0x89: {  	v6 =	vmax.f32 v23, v6;
	v8 =	vpsel p0, v8, v13;
	[tilespmem:s26+$0x7810] =	vst v9  }
0x8a: {  	(v2sf) =	vpush v5, $0x2;
	v6 =	vpsel p0, v6, v23;
	[tilespmem:s26+$0x7820] =	vst v8;
	v7 =	vmax.f32 v11, v7  }
0x8b: {  	s28 =	spop (v2sf);
	(v2sf) =	vpush v4, $0x2;
	[tilespmem:s26+$0x7840] =	vst v6;
	v7 =	vpsel p0, v7, v11  }
0x8c: {  	s29 =	spop (v2sf);
	[tilespmem:s26+$0x7830] =	vst v7  }
0x8d: {  	v11 =	vld [tilespmem:s29+$0x0]  }
0x8e: {  	v24 =	vld [tilespmem:s29+$0x10]  }
0x8f: {  	v25 =	vld [tilespmem:s29+$0x20]  }
0x90: {  	v26 =	vbroadcast v3, $0x1;
	v28 =	vld [tilespmem:s29+$0x40]  }
0x91: {  	v27 =	vld [tilespmem:s29+$0x30]  }
0x92: {  	v11 =	vmul.f32 v11, v26  }
0x93: {  	s30 =	smul.u32 $0x140, s28;
	v12 =	vmul.f32 v24, v26  }
0x94: {  	p4 =	seq.s32 s28, s24;
	v13 =	vmul.f32 v25, v26;
	v10 =	vmax.f32 v11, v10  }
0x95: {  	s23 =	sshra.s32 s30, $0x2;
	v29 =	vmul.f32 v28, v26;
	v9 =	vmax.f32 v12, v9;
	v10 =	vpsel p4, v10, v11  }
0x96: {  	v8 =	vmax.f32 v13, v8;
	v11 =	vmul.f32 v27, v26;
	v9 =	vpsel p4, v9, v12;
	[tilespmem:s23+$0x7800] =	vst v10  }
0x97: {  	v6 =	vmax.f32 v29, v6;
	v8 =	vpsel p4, v8, v13;
	[tilespmem:s23+$0x7810] =	vst v9  }
0x98: {  	(v2sf) =	vpush v5, $0x3;
	v6 =	vpsel p4, v6, v29;
	[tilespmem:s23+$0x7820] =	vst v8;
	v7 =	vmax.f32 v11, v7  }
0x99: {  	s24 =	spop (v2sf);
	(v2sf) =	vpush v4, $0x3;
	[tilespmem:s23+$0x7840] =	vst v6;
	v7 =	vpsel p4, v7, v11  }
0x9a: {  	s31 =	spop (v2sf);
	[tilespmem:s23+$0x7830] =	vst v7  }
0x9b: {  	v11 =	vld [tilespmem:s31+$0x0]  }
0x9c: {  	v30 =	vld [tilespmem:s31+$0x10]  }
0x9d: {  	v31 =	vld [tilespmem:s31+$0x20]  }
0x9e: {  	v32 =	vbroadcast v3, $0x2;
	v34 =	vld [tilespmem:s31+$0x40]  }
0x9f: {  	v33 =	vld [tilespmem:s31+$0x30]  }
0xa0: {  	v11 =	vmul.f32 v11, v32  }
0xa1: {  	s26 =	smul.u32 $0x140, s24;
	v12 =	vmul.f32 v30, v32  }
0xa2: {  	p5 =	seq.s32 s24, s28;
	v13 =	vmul.f32 v31, v32;
	v10 =	vmax.f32 v11, v10  }
0xa3: {  	s23 =	sshra.s32 s26, $0x2;
	v35 =	vmul.f32 v34, v32;
	v9 =	vmax.f32 v12, v9;
	v10 =	vpsel p5, v10, v11  }
0xa4: {  	v8 =	vmax.f32 v13, v8;
	v11 =	vmul.f32 v33, v32;
	v9 =	vpsel p5, v9, v12;
	[tilespmem:s23+$0x7800] =	vst v10  }
0xa5: {  	v6 =	vmax.f32 v35, v6;
	v8 =	vpsel p5, v8, v13;
	[tilespmem:s23+$0x7810] =	vst v9  }
0xa6: {  	(v2sf) =	vpush v5, $0x4;
	v6 =	vpsel p5, v6, v35;
	[tilespmem:s23+$0x7820] =	vst v8;
	v7 =	vmax.f32 v11, v7  }
0xa7: {  	s28 =	spop (v2sf);
	(v2sf) =	vpush v4, $0x4;
	[tilespmem:s23+$0x7840] =	vst v6;
	v7 =	vpsel p5, v7, v11  }
0xa8: {  	s29 =	spop (v2sf);
	[tilespmem:s23+$0x7830] =	vst v7  }
0xa9: {  	v11 =	vld [tilespmem:s29+$0x0]  }
0xaa: {  	v36 =	vld [tilespmem:s29+$0x10]  }
0xab: {  	v37 =	vld [tilespmem:s29+$0x20]  }
0xac: {  	v38 =	vbroadcast v3, $0x3;
	v40 =	vld [tilespmem:s29+$0x40]  }
0xad: {  	v39 =	vld [tilespmem:s29+$0x30]  }
0xae: {  	v11 =	vmul.f32 v11, v38  }
0xaf: {  	s30 =	smul.u32 $0x140, s28;
	v12 =	vmul.f32 v36, v38  }
0xb0: {  	p6 =	seq.s32 s28, s24;
	v13 =	vmul.f32 v37, v38;
	v10 =	vmax.f32 v11, v10  }
0xb1: {  	s23 =	sshra.s32 s30, $0x2;
	v41 =	vmul.f32 v40, v38;
	v9 =	vmax.f32 v12, v9;
	v10 =	vpsel p6, v10, v11  }
0xb2: {  	v8 =	vmax.f32 v13, v8;
	v11 =	vmul.f32 v39, v38;
	v9 =	vpsel p6, v9, v12;
	[tilespmem:s23+$0x7800] =	vst v10  }
0xb3: {  	v6 =	vmax.f32 v41, v6;
	v8 =	vpsel p6, v8, v13;
	[tilespmem:s23+$0x7810] =	vst v9  }
0xb4: {  	(v2sf) =	vpush v5, $0x5;
	v6 =	vpsel p6, v6, v41;
	[tilespmem:s23+$0x7820] =	vst v8;
	v7 =	vmax.f32 v11, v7  }
0xb5: {  	s24 =	spop (v2sf);
	(v2sf) =	vpush v4, $0x5;
	[tilespmem:s23+$0x7840] =	vst v6;
	v7 =	vpsel p6, v7, v11  }
0xb6: {  	s31 =	spop (v2sf);
	[tilespmem:s23+$0x7830] =	vst v7  }
0xb7: {  	v11 =	vld [tilespmem:s31+$0x0]  }
0xb8: {  	v42 =	vld [tilespmem:s31+$0x10]  }
0xb9: {  	v43 =	vld [tilespmem:s31+$0x20]  }
0xba: {  	v44 =	vbroadcast v3, $0x4;
	v46 =	vld [tilespmem:s31+$0x40]  }
0xbb: {  	v45 =	vld [tilespmem:s31+$0x30]  }
0xbc: {  	v11 =	vmul.f32 v11, v44  }
0xbd: {  	s26 =	smul.u32 $0x140, s24;
	v12 =	vmul.f32 v42, v44  }
0xbe: {  	p1 =	seq.s32 s24, s28;
	v13 =	vmul.f32 v43, v44;
	v10 =	vmax.f32 v11, v10  }
0xbf: {  	s23 =	sshra.s32 s26, $0x2;
	v47 =	vmul.f32 v46, v44;
	v9 =	vmax.f32 v12, v9;
	v10 =	vpsel p1, v10, v11  }
0xc0: {  	v8 =	vmax.f32 v13, v8;
	v11 =	vmul.f32 v45, v44;
	v9 =	vpsel p1, v9, v12;
	[tilespmem:s23+$0x7800] =	vst v10  }
0xc1: {  	v6 =	vmax.f32 v47, v6;
	v8 =	vpsel p1, v8, v13;
	[tilespmem:s23+$0x7810] =	vst v9  }
0xc2: {  	(v2sf) =	vpush v5, $0x6;
	v6 =	vpsel p1, v6, v47;
	[tilespmem:s23+$0x7820] =	vst v8;
	v7 =	vmax.f32 v11, v7  }
0xc3: {  	s28 =	spop (v2sf);
	(v2sf) =	vpush v4, $0x6;
	[tilespmem:s23+$0x7840] =	vst v6;
	v7 =	vpsel p1, v7, v11  }
0xc4: {  	s29 =	spop (v2sf);
	[tilespmem:s23+$0x7830] =	vst v7  }
0xc5: {  	v11 =	vld [tilespmem:s29+$0x0]  }
0xc6: {  	v48 =	vld [tilespmem:s29+$0x10]  }
0xc7: {  	v49 =	vld [tilespmem:s29+$0x20]  }
0xc8: {  	v50 =	vbroadcast v3, $0x5;
	v52 =	vld [tilespmem:s29+$0x40]  }
0xc9: {  	v51 =	vld [tilespmem:s29+$0x30]  }
0xca: {  	v11 =	vmul.f32 v11, v50  }
0xcb: {  	s30 =	smul.u32 $0x140, s28;
	v12 =	vmul.f32 v48, v50  }
0xcc: {  	p2 =	seq.s32 s28, s24;
	v13 =	vmul.f32 v49, v50;
	v10 =	vmax.f32 v11, v10  }
0xcd: {  	s23 =	sshra.s32 s30, $0x2;
	v53 =	vmul.f32 v52, v50;
	v9 =	vmax.f32 v12, v9;
	v10 =	vpsel p2, v10, v11  }
0xce: {  	v8 =	vmax.f32 v13, v8;
	v11 =	vmul.f32 v51, v50;
	v9 =	vpsel p2, v9, v12;
	[tilespmem:s23+$0x7800] =	vst v10  }
0xcf: {  	v6 =	vmax.f32 v53, v6;
	v8 =	vpsel p2, v8, v13;
	[tilespmem:s23+$0x7810] =	vst v9  }
0xd0: {  	(v2sf) =	vpush v5, $0x7;
	v6 =	vpsel p2, v6, v53;
	[tilespmem:s23+$0x7820] =	vst v8;
	v7 =	vmax.f32 v11, v7  }
0xd1: {  	s24 =	spop (v2sf);
	(v2sf) =	vpush v4, $0x7;
	[tilespmem:s23+$0x7840] =	vst v6;
	v7 =	vpsel p2, v7, v11  }
0xd2: {  	s31 =	spop (v2sf);
	[tilespmem:s23+$0x7830] =	vst v7  }
0xd3: {  	v11 =	vld [tilespmem:s31+$0x0]  }
0xd4: {  	v54 =	vld [tilespmem:s31+$0x10]  }
0xd5: {  	v55 =	vld [tilespmem:s31+$0x20]  }
0xd6: {  	v56 =	vbroadcast v3, $0x6;
	v58 =	vld [tilespmem:s31+$0x40]  }
0xd7: {  	v57 =	vld [tilespmem:s31+$0x30]  }
0xd8: {  	v11 =	vmul.f32 v11, v56  }
0xd9: {  	s26 =	smul.u32 $0x140, s24;
	v12 =	vmul.f32 v54, v56  }
0xda: {  	p3 =	seq.s32 s24, s28;
	v13 =	vmul.f32 v55, v56;
	v10 =	vmax.f32 v11, v10  }
0xdb: {  	s23 =	sshra.s32 s26, $0x2;
	v59 =	vmul.f32 v58, v56;
	v9 =	vmax.f32 v12, v9;
	v10 =	vpsel p3, v10, v11  }
0xdc: {  	v8 =	vmax.f32 v13, v8;
	v11 =	vmul.f32 v57, v56;
	v9 =	vpsel p3, v9, v12;
	[tilespmem:s23+$0x7800] =	vst v10  }
0xdd: {  	v6 =	vmax.f32 v59, v6;
	v8 =	vpsel p3, v8, v13;
	[tilespmem:s23+$0x7810] =	vst v9  }
0xde: {  	(v2sf) =	vpush v5, $0x8;
	v6 =	vpsel p3, v6, v59;
	[tilespmem:s23+$0x7820] =	vst v8;
	v7 =	vmax.f32 v11, v7  }
0xdf: {  	s28 =	spop (v2sf);
	(v2sf) =	vpush v4, $0x8;
	[tilespmem:s23+$0x7840] =	vst v6;
	v7 =	vpsel p3, v7, v11  }
0xe0: {  	s29 =	spop (v2sf);
	[tilespmem:s23+$0x7830] =	vst v7  }
0xe1: {  	v11 =	vld [tilespmem:s29+$0x0]  }
0xe2: {  	v60 =	vld [tilespmem:s29+$0x10]  }
0xe3: {  	v61 =	vld [tilespmem:s29+$0x20]  }
0xe4: {  	v62 =	vbroadcast v3, $0x7;
	v20 =	vld [tilespmem:s29+$0x40]  }
0xe5: {  	v63 =	vld [tilespmem:s29+$0x30]  }
0xe6: {  	v11 =	vmul.f32 v11, v62  }
0xe7: {  	s30 =	smul.u32 $0x140, s28;
	v12 =	vmul.f32 v60, v62  }
0xe8: {  	p4 =	seq.s32 s28, s24;
	v13 =	vmul.f32 v61, v62;
	v10 =	vmax.f32 v11, v10  }
0xe9: {  	s23 =	sshra.s32 s30, $0x2;
	v21 =	vmul.f32 v20, v62;
	v9 =	vmax.f32 v12, v9;
	v10 =	vpsel p4, v10, v11  }
0xea: {  	v8 =	vmax.f32 v13, v8;
	v11 =	vmul.f32 v63, v62;
	v9 =	vpsel p4, v9, v12;
	[tilespmem:s23+$0x7800] =	vst v10  }
0xeb: {  	v6 =	vmax.f32 v21, v6;
	v8 =	vpsel p4, v8, v13;
	[tilespmem:s23+$0x7810] =	vst v9  }
0xec: {  	(v2sf) =	vpush v5, $0x9;
	v6 =	vpsel p4, v6, v21;
	[tilespmem:s23+$0x7820] =	vst v8;
	v7 =	vmax.f32 v11, v7  }
0xed: {  	s24 =	spop (v2sf);
	(v2sf) =	vpush v4, $0x9;
	[tilespmem:s23+$0x7840] =	vst v6;
	v7 =	vpsel p4, v7, v11  }
0xee: {  	s31 =	spop (v2sf);
	[tilespmem:s23+$0x7830] =	vst v7  }
0xef: {  	v11 =	vld [tilespmem:s31+$0x0]  }
0xf0: {  	v22 =	vld [tilespmem:s31+$0x10]  }
0xf1: {  	v23 =	vld [tilespmem:s31+$0x20]  }
0xf2: {  	v24 =	vbroadcast v3, $0x8;
	v26 =	vld [tilespmem:s31+$0x40]  }
0xf3: {  	v25 =	vld [tilespmem:s31+$0x30]  }
0xf4: {  	v11 =	vmul.f32 v11, v24  }
0xf5: {  	s26 =	smul.u32 $0x140, s24;
	v12 =	vmul.f32 v22, v24  }
0xf6: {  	p5 =	seq.s32 s24, s28;
	v13 =	vmul.f32 v23, v24;
	v10 =	vmax.f32 v11, v10  }
0xf7: {  	s23 =	sshra.s32 s26, $0x2;
	v27 =	vmul.f32 v26, v24;
	v9 =	vmax.f32 v12, v9;
	v10 =	vpsel p5, v10, v11  }
0xf8: {  	v8 =	vmax.f32 v13, v8;
	v11 =	vmul.f32 v25, v24;
	v9 =	vpsel p5, v9, v12;
	[tilespmem:s23+$0x7800] =	vst v10  }
0xf9: {  	v6 =	vmax.f32 v27, v6;
	v8 =	vpsel p5, v8, v13;
	[tilespmem:s23+$0x7810] =	vst v9  }
0xfa: {  	(v2sf) =	vpush v5, $0xA;
	v6 =	vpsel p5, v6, v27;
	[tilespmem:s23+$0x7820] =	vst v8;
	v7 =	vmax.f32 v11, v7  }
0xfb: {  	s28 =	spop (v2sf);
	(v2sf) =	vpush v4, $0xA;
	[tilespmem:s23+$0x7840] =	vst v6;
	v7 =	vpsel p5, v7, v11  }
0xfc: {  	s29 =	spop (v2sf);
	[tilespmem:s23+$0x7830] =	vst v7  }
0xfd: {  	v11 =	vld [tilespmem:s29+$0x0]  }
0xfe: {  	v28 =	vld [tilespmem:s29+$0x10]  }
0xff: {  	v29 =	vld [tilespmem:s29+$0x20]  }
0x100: {  	v30 =	vbroadcast v3, $0x9;
	v32 =	vld [tilespmem:s29+$0x40]  }
0x101: {  	v31 =	vld [tilespmem:s29+$0x30]  }
0x102: {  	v11 =	vmul.f32 v11, v30  }
0x103: {  	s30 =	smul.u32 $0x140, s28;
	v12 =	vmul.f32 v28, v30  }
0x104: {  	p6 =	seq.s32 s28, s24;
	v13 =	vmul.f32 v29, v30;
	v10 =	vmax.f32 v11, v10  }
0x105: {  	s23 =	sshra.s32 s30, $0x2;
	v33 =	vmul.f32 v32, v30;
	v9 =	vmax.f32 v12, v9;
	v10 =	vpsel p6, v10, v11  }
0x106: {  	v8 =	vmax.f32 v13, v8;
	v11 =	vmul.f32 v31, v30;
	v9 =	vpsel p6, v9, v12;
	[tilespmem:s23+$0x7800] =	vst v10  }
0x107: {  	v6 =	vmax.f32 v33, v6;
	v8 =	vpsel p6, v8, v13;
	[tilespmem:s23+$0x7810] =	vst v9  }
0x108: {  	(v2sf) =	vpush v5, $0xB;
	v6 =	vpsel p6, v6, v33;
	[tilespmem:s23+$0x7820] =	vst v8;
	v7 =	vmax.f32 v11, v7  }
0x109: {  	s24 =	spop (v2sf);
	(v2sf) =	vpush v4, $0xB;
	[tilespmem:s23+$0x7840] =	vst v6;
	v7 =	vpsel p6, v7, v11  }
0x10a: {  	s31 =	spop (v2sf);
	[tilespmem:s23+$0x7830] =	vst v7  }
0x10b: {  	v11 =	vld [tilespmem:s31+$0x0]  }
0x10c: {  	v34 =	vld [tilespmem:s31+$0x10]  }
0x10d: {  	v35 =	vld [tilespmem:s31+$0x20]  }
0x10e: {  	v36 =	vbroadcast v3, $0xA;
	v38 =	vld [tilespmem:s31+$0x40]  }
0x10f: {  	v37 =	vld [tilespmem:s31+$0x30]  }
0x110: {  	v11 =	vmul.f32 v11, v36  }
0x111: {  	s26 =	smul.u32 $0x140, s24;
	v12 =	vmul.f32 v34, v36  }
0x112: {  	p1 =	seq.s32 s24, s28;
	v13 =	vmul.f32 v35, v36;
	v10 =	vmax.f32 v11, v10  }
0x113: {  	s23 =	sshra.s32 s26, $0x2;
	v39 =	vmul.f32 v38, v36;
	v9 =	vmax.f32 v12, v9;
	v10 =	vpsel p1, v10, v11  }
0x114: {  	v8 =	vmax.f32 v13, v8;
	v11 =	vmul.f32 v37, v36;
	v9 =	vpsel p1, v9, v12;
	[tilespmem:s23+$0x7800] =	vst v10  }
0x115: {  	v6 =	vmax.f32 v39, v6;
	v8 =	vpsel p1, v8, v13;
	[tilespmem:s23+$0x7810] =	vst v9  }
0x116: {  	(v2sf) =	vpush v5, $0xC;
	v6 =	vpsel p1, v6, v39;
	[tilespmem:s23+$0x7820] =	vst v8;
	v7 =	vmax.f32 v11, v7  }
0x117: {  	s28 =	spop (v2sf);
	(v2sf) =	vpush v4, $0xC;
	[tilespmem:s23+$0x7840] =	vst v6;
	v7 =	vpsel p1, v7, v11  }
0x118: {  	s29 =	spop (v2sf);
	[tilespmem:s23+$0x7830] =	vst v7  }
0x119: {  	v11 =	vld [tilespmem:s29+$0x0]  }
0x11a: {  	v40 =	vld [tilespmem:s29+$0x10]  }
0x11b: {  	v41 =	vld [tilespmem:s29+$0x20]  }
0x11c: {  	v42 =	vbroadcast v3, $0xB;
	v44 =	vld [tilespmem:s29+$0x40]  }
0x11d: {  	v43 =	vld [tilespmem:s29+$0x30]  }
0x11e: {  	v11 =	vmul.f32 v11, v42  }
0x11f: {  	s30 =	smul.u32 $0x140, s28;
	v12 =	vmul.f32 v40, v42  }
0x120: {  	p2 =	seq.s32 s28, s24;
	v13 =	vmul.f32 v41, v42;
	v10 =	vmax.f32 v11, v10  }
0x121: {  	s23 =	sshra.s32 s30, $0x2;
	v45 =	vmul.f32 v44, v42;
	v9 =	vmax.f32 v12, v9;
	v10 =	vpsel p2, v10, v11  }
0x122: {  	v8 =	vmax.f32 v13, v8;
	v11 =	vmul.f32 v43, v42;
	v9 =	vpsel p2, v9, v12;
	[tilespmem:s23+$0x7800] =	vst v10  }
0x123: {  	v6 =	vmax.f32 v45, v6;
	v8 =	vpsel p2, v8, v13;
	[tilespmem:s23+$0x7810] =	vst v9  }
0x124: {  	(v2sf) =	vpush v5, $0xD;
	v6 =	vpsel p2, v6, v45;
	[tilespmem:s23+$0x7820] =	vst v8;
	v7 =	vmax.f32 v11, v7  }
0x125: {  	s24 =	spop (v2sf);
	(v2sf) =	vpush v4, $0xD;
	[tilespmem:s23+$0x7840] =	vst v6;
	v7 =	vpsel p2, v7, v11  }
0x126: {  	s31 =	spop (v2sf);
	[tilespmem:s23+$0x7830] =	vst v7  }
0x127: {  	v11 =	vld [tilespmem:s31+$0x0]  }
0x128: {  	v46 =	vld [tilespmem:s31+$0x10]  }
0x129: {  	v47 =	vld [tilespmem:s31+$0x20]  }
0x12a: {  	v48 =	vbroadcast v3, $0xC;
	v50 =	vld [tilespmem:s31+$0x40]  }
0x12b: {  	v49 =	vld [tilespmem:s31+$0x30]  }
0x12c: {  	v11 =	vmul.f32 v11, v48  }
0x12d: {  	s26 =	smul.u32 $0x140, s24;
	v12 =	vmul.f32 v46, v48  }
0x12e: {  	p3 =	seq.s32 s24, s28;
	v13 =	vmul.f32 v47, v48;
	v10 =	vmax.f32 v11, v10  }
0x12f: {  	s23 =	sshra.s32 s26, $0x2;
	v51 =	vmul.f32 v50, v48;
	v9 =	vmax.f32 v12, v9;
	v10 =	vpsel p3, v10, v11  }
0x130: {  	v8 =	vmax.f32 v13, v8;
	v11 =	vmul.f32 v49, v48;
	v9 =	vpsel p3, v9, v12;
	[tilespmem:s23+$0x7800] =	vst v10  }
0x131: {  	v6 =	vmax.f32 v51, v6;
	v8 =	vpsel p3, v8, v13;
	[tilespmem:s23+$0x7810] =	vst v9  }
0x132: {  	(v2sf) =	vpush v5, $0xE;
	v6 =	vpsel p3, v6, v51;
	[tilespmem:s23+$0x7820] =	vst v8;
	v7 =	vmax.f32 v11, v7  }
0x133: {  	s28 =	spop (v2sf);
	(v2sf) =	vpush v4, $0xE;
	[tilespmem:s23+$0x7840] =	vst v6;
	v7 =	vpsel p3, v7, v11  }
0x134: {  	s29 =	spop (v2sf);
	[tilespmem:s23+$0x7830] =	vst v7  }
0x135: {  	v11 =	vld [tilespmem:s29+$0x0]  }
0x136: {  	v52 =	vld [tilespmem:s29+$0x10]  }
0x137: {  	v53 =	vld [tilespmem:s29+$0x20]  }
0x138: {  	v54 =	vbroadcast v3, $0xD;
	v56 =	vld [tilespmem:s29+$0x40]  }
0x139: {  	v55 =	vld [tilespmem:s29+$0x30]  }
0x13a: {  	v11 =	vmul.f32 v11, v54  }
0x13b: {  	s30 =	smul.u32 $0x140, s28;
	v12 =	vmul.f32 v52, v54  }
0x13c: {  	p4 =	seq.s32 s28, s24;
	v13 =	vmul.f32 v53, v54;
	v10 =	vmax.f32 v11, v10  }
0x13d: {  	s23 =	sshra.s32 s30, $0x2;
	v57 =	vmul.f32 v56, v54;
	v9 =	vmax.f32 v12, v9;
	v10 =	vpsel p4, v10, v11  }
0x13e: {  	v8 =	vmax.f32 v13, v8;
	v11 =	vmul.f32 v55, v54;
	v9 =	vpsel p4, v9, v12;
	[tilespmem:s23+$0x7800] =	vst v10  }
0x13f: {  	v6 =	vmax.f32 v57, v6;
	v8 =	vpsel p4, v8, v13;
	[tilespmem:s23+$0x7810] =	vst v9  }
0x140: {  	(v2sf) =	vpush v5, $0xF;
	v5 =	vpsel p4, v6, v57;
	[tilespmem:s23+$0x7820] =	vst v8;
	v7 =	vmax.f32 v11, v7  }
0x141: {  	s24 =	spop (v2sf);
	(v2sf) =	vpush v4, $0xF;
	[tilespmem:s23+$0x7840] =	vst v5;
	v7 =	vpsel p4, v7, v11  }
0x142: {  	s31 =	spop (v2sf);
	[tilespmem:s23+$0x7830] =	vst v7  }
0x143: {  	v4 =	vld [tilespmem:s31+$0x0]  }
0x144: {  	v6 =	vld [tilespmem:s31+$0x10]  }
0x145: {  	v11 =	vld [tilespmem:s31+$0x20]  }
0x146: {  	v58 =	vbroadcast v3, $0xE;
	v59 =	vld [tilespmem:s31+$0x30]  }
0x147: {  	v60 =	vld [tilespmem:s31+$0x40]  }
0x148: {  	v4 =	vmul.f32 v4, v58  }
0x149: {  	s26 =	smul.u32 $0x140, s24;
	v6 =	vmul.f32 v6, v58  }
0x14a: {  	p5 =	seq.s32 s24, s28;
	v11 =	vmul.f32 v11, v58;
	v10 =	vmax.f32 v4, v10  }
0x14b: {  	s28 =	sshra.s32 s26, $0x2;
	v9 =	vmax.f32 v6, v9;
	v4 =	vpsel p5, v10, v4;
	v10 =	vmul.f32 v59, v58  }
0x14c: {  	v8 =	vmax.f32 v11, v8;
	v6 =	vpsel p5, v9, v6;
	v9 =	vmul.f32 v60, v58;
	[tilespmem:s28+$0x7800] =	vst v4  }
0x14d: {  	v8 =	vpsel p5, v8, v11;
	[tilespmem:s28+$0x7810] =	vst v6;
	v7 =	vmax.f32 v10, v7  }
0x14e: {  	[tilespmem:s28+$0x7820] =	vst v8;
	v5 =	vmax.f32 v9, v5;
	v7 =	vpsel p5, v7, v10  }
0x14f: {  	s23 =	spop (v2sf);
	v5 =	vpsel p5, v5, v9;
	[tilespmem:s28+$0x7830] =	vst v7  }
0x150: {  	s29 =	spop (v2sf);
	[tilespmem:s28+$0x7840] =	vst v5  }
0x151: {  	v9 =	vld [tilespmem:s29+$0x0]  }
0x152: {  	v10 =	vld [tilespmem:s29+$0x10]  }
0x153: {  	v11 =	vld [tilespmem:s29+$0x20]  }
0x154: {  	v3 =	vbroadcast v3, $0xF;
	v61 =	vld [tilespmem:s29+$0x30]  }
0x155: {  	v62 =	vld [tilespmem:s29+$0x40]  }
0x156: {  	v9 =	vmul.f32 v9, v3  }
0x157: {  	s30 =	smul.u32 $0x140, s23;
	v63 =	vmul.f32 v10, v3  }
0x158: {  	p6 =	seq.s32 s23, s24;
	v11 =	vmul.f32 v11, v3;
	v4 =	vmax.f32 v9, v4  }
0x159: {  	p0 =	sne.s32 s22, $0x5FC0;
	s31 =	sshra.s32 s30, $0x2;
	v10 =	vpsel p6, v4, v9;
	v4 =	vmax.f32 v63, v6;
	v6 =	vmul.f32 v61, v3  }
.Ltmp4:
0x15a: {  	v3 =	vmul.f32 v62, v3;
	v9 =	vpsel p6, v4, v63;
	v4 =	vmax.f32 v11, v8;
	[tilespmem:s31+$0x7800] =	vst v10;
	(pc) =	sbr.rel @p0 .LBB2_10-.Ltmp4, $4  }
0x15b: {  	v8 =	vpsel p6, v4, v11;
	v4 =	vmax.f32 v6, v7;
	[tilespmem:s31+$0x7810] =	vst v9  }
0x15c: {  	v7 =	vpsel p6, v4, v6;
	v4 =	vmax.f32 v3, v5;
	[tilespmem:s31+$0x7820] =	vst v8  }
0x15d: {  	v6 =	vpsel p6, v4, v3;
	[tilespmem:s31+$0x7830] =	vst v7  }
0x15e: {  	s22 =	sadd.s32 $0x40, s22;
	[tilespmem:s31+$0x7840] =	vst v6  }
0x15f: {  	s21 =	sadd.s32 $0x1, s21  }
0x160: {  	p0 =	sne.s32 s21, s8  }
.Ltmp5:
0x161: {  	_ = 	snop;
	(pc) =	sbr.rel @p0 .LBB2_1-.Ltmp5, $4  }
0x162: {  	[hbm4b:s7+s9] =	stream.strided.scatter [tilespmem:s20], [sflag:$0x1], $0x7800, s10, s9, $0x38;
	[tilespmem:$0x18300] =	vst v63  }
0x163: {  	_ =	swait.ge [sflag:s11], $0x7800  }
0x164: {  	[sflag:s11] =	ssyncset.done $0x0  }
0x165: {  	[sflag:s11] =	ssyncadd.s32 $0xFFFF8800  }
0x166: {  	_ =	sfence.sel $0x180000  }
0x167: {  	[bflag:$0x0] =	sbarrier.arrive $0xFFFF  }
0x168: {  	p0 =	sne.s32 s0, $0x0;
	_ =	strace $0x90000047  }
0x169: {  	s0 =	sadd.s32 @!p0 $0x100000, s1;
	[bflag:$0x2] =	sbarrier.arrive $0xFFFF  }
0x16a: {  	[sflag:s0] =	ssyncadd.tile.s32 @!p0 $0x1;
	_ =	shalt  }
.Lfunc_end2:
_tile_overlayer_lowered:
.L_overlay_start_2:
0x16b: {  	(tag) =	ssettag $0x2  }
0x16c: {  	s0 =	rddreg [dreg:$0x0];
	s2 =	stileid.u32  }
0x16d: {  	s1 =	rddreg [dreg:$0x1];
	p0 =	sne.s32 s2, $0x0  }
0x16e: {  	s3 =	rddreg [dreg:$0x2];
	[bflag:$0x3] =	sbarrier.arrive $0xFFFF;
	s2 =	simm.s32 @!p0 $0x1C01  }
0x16f: {  	[timem:s3], [sflag:s2] =	dma.local @!p0 [hbm:s0], s1  }
0x170: {  	s0 =	simm.s32 @!p0 $0x1  }
0x171: {  	_ =	swait.ge @!p0 [sflag:s0], s1  }
0x172: {  	s1 =	ssub.s32 @!p0 $0x0, s1;
	[sflag:s0] =	ssyncset.done @!p0 $0x0  }
0x173: {  	[sflag:s0] =	ssyncadd.s32 @!p0 s1  }
0x174: {  	[bflag:$0x3] =	sbarrier.arrive $0xFFFF  }
0x175: {  	_ =	shalt  }

</sc_bundles>
